<compile_context>
chip_gen: v7x
topology: tpu7x:2x2x1
jax: 0.10.2.dev20260603
libtpu: 0.0.44.dev20260713+nightly
codegen_flags: <defaults>
</compile_context>

<pallas_src>
import functools

import jax
import jax.numpy as jnp
from jax import lax
from jax.experimental import pallas as pl
from jax.experimental.layout import Layout, with_layout_constraint
from jax.experimental.pallas import tpu as pltpu
from jax.experimental.pallas import tpu_sc as plsc

VOCAB = 100000
VOCAB_PAD = 102400
D_IN = 64
B = 4096
T = 200
NTOK = B * T


_COLS_BLK = 4096


def _scores_body(tabt_ref, w_ref, b_ref, out_ref):
    s = lax.dot_general(
        w_ref[...],
        tabt_ref[...],
        (((1,), (0,)), ((), ())),
        preferred_element_type=jnp.float32,
    )
    out_ref[...] = (s + b_ref[...])[0]


def _compute_scores(tab_t, wrow, b2d):
    return pl.pallas_call(
        _scores_body,
        grid=(VOCAB_PAD // _COLS_BLK,),
        in_specs=[
            pl.BlockSpec((D_IN, _COLS_BLK), lambda i: (0, i)),
            pl.BlockSpec((1, D_IN), lambda i: (0, 0)),
            pl.BlockSpec((1, 1), lambda i: (0, 0)),
        ],
        out_specs=pl.BlockSpec((_COLS_BLK,), lambda i: (i,)),
        out_shape=jax.ShapeDtypeStruct((VOCAB_PAD,), jnp.float32),
    )(tab_t, wrow, b2d)



_NC = 2
_NS = 16
_NW = _NC * _NS
_COLS_PER_W = B // _NW
_CHUNK_ROWS = 40
_LANES = 16


_N_CHUNKS = T // _CHUNK_ROWS


def _gather_body(
    scores_hbm, idst_hbm, outt_hbm,
    tab_v, idx_v0, idx_v1, out_v0, out_v1,
    sem_t, si0, si1, so0, so1,
):
    wid = lax.axis_index("s") * _NC + lax.axis_index("c")
    col0 = wid * _COLS_PER_W
    idx_bufs = (idx_v0, idx_v1)
    out_bufs = (out_v0, out_v1)
    isems = (si0, si1)
    osems = (so0, so1)

    def in_slice(c):
        return idst_hbm.at[
            pl.ds(c * _CHUNK_ROWS, _CHUNK_ROWS), pl.ds(col0, _COLS_PER_W)
        ]

    def out_slice(c):
        return outt_hbm.at[
            pl.ds(c * _CHUNK_ROWS, _CHUNK_ROWS), pl.ds(col0, _COLS_PER_W)
        ]

    tab_cp = pltpu.async_copy(scores_hbm, tab_v, sem_t)
    in_cps = [None] * _N_CHUNKS
    in_cps[0] = pltpu.async_copy(in_slice(0), idx_v0, si0)
    in_cps[1] = pltpu.async_copy(in_slice(1), idx_v1, si1)
    tab_cp.wait()
    out_cps = [None, None]
    for c in range(_N_CHUNKS):
        b = c & 1
        in_cps[c].wait()
        if out_cps[b] is not None:
            out_cps[b].wait()
        idx_v = idx_bufs[b]
        out_v = out_bufs[b]

        @plsc.parallel_loop(0, _CHUNK_ROWS, unroll=2)
        def _(r):
            for k in range(_COLS_PER_W // _LANES):
                ids = idx_v[r, pl.ds(_LANES * k, _LANES)]
                out_v[r, pl.ds(_LANES * k, _LANES)] = plsc.load_gather(
                    tab_v, [ids]
                )
        out_cps[b] = pltpu.async_copy(out_bufs[b], out_slice(c), osems[b])
        if c + 2 < _N_CHUNKS:
            in_cps[c + 2] = pltpu.async_copy(
                in_slice(c + 2), idx_bufs[b], isems[b]
            )
    for cp in out_cps:
        if cp is not None:
            cp.wait()


_gather_call = functools.partial(
    pl.kernel,
    out_type=jax.ShapeDtypeStruct((T, B), jnp.float32),
    mesh=plsc.VectorSubcoreMesh(core_axis_name="c", subcore_axis_name="s"),
    compiler_params=pltpu.CompilerParams(needs_layout_passes=False),
    scratch_types=[
        pltpu.VMEM((VOCAB_PAD,), jnp.float32),
        pltpu.VMEM((_CHUNK_ROWS, _COLS_PER_W), jnp.int32),
        pltpu.VMEM((_CHUNK_ROWS, _COLS_PER_W), jnp.int32),
        pltpu.VMEM((_CHUNK_ROWS, _COLS_PER_W), jnp.float32),
        pltpu.VMEM((_CHUNK_ROWS, _COLS_PER_W), jnp.float32),
        pltpu.SemaphoreType.DMA,
        pltpu.SemaphoreType.DMA,
        pltpu.SemaphoreType.DMA,
        pltpu.SemaphoreType.DMA,
        pltpu.SemaphoreType.DMA,
    ],
)


def kernel(input_ids, embed_table, proj_w, proj_b):
    tab_t = embed_table.T
    ids_t = input_ids.astype(jnp.int32).T
    b2d = proj_b.reshape(1, 1)
    scores = _compute_scores(tab_t, proj_w, b2d)
    out_t = _gather_call(_gather_body)(scores, ids_t)
    out = out_t.T[..., None]
    return with_layout_constraint(
        out, Layout(major_to_minor=(1, 2, 0), tiling=((1, 128),))
    )

# --- scband reference (transcript-rebuilt; emitter-appended) ---
"""Pipeline reference for scband-tiny-critic-37168646979632 (READ-ONLY COPY).

The authoritative reference and input builder live on the scoring server;
editing this copy changes nothing except your own understanding.
"""

import jax, jax.numpy as jnp
import numpy as np

VOCAB = 100000
D_IN = 64
B = 4096
T = 200

def setup_inputs(seed: int = 0) -> dict:
    key = jax.random.key(seed)
    k_ids, k_emb, k_w, k_b = jax.random.split(key, 4)
    input_ids = jax.random.randint(k_ids, (B, T), 0, VOCAB, dtype=jnp.int64 if jax.config.jax_enable_x64 else jnp.int32)
    embed_table = jax.random.normal(k_emb, (VOCAB, D_IN), dtype=jnp.float32)
    # nn.Linear(d_in, 1): weight (1, d_in), bias (1,); use kaiming-uniform-like init scale
    bound = 1.0 / np.sqrt(D_IN)
    proj_w = jax.random.uniform(k_w, (1, D_IN), minval=-bound, maxval=bound, dtype=jnp.float32)
    proj_b = jax.random.uniform(k_b, (1,), minval=-bound, maxval=bound, dtype=jnp.float32)
    return {"input_ids": input_ids, "embed_table": embed_table, "proj_w": proj_w, "proj_b": proj_b}

def reference(input_ids, embed_table, proj_w, proj_b):
    # embedding lookup: (B, T) -> (B, T, D_IN)
    emb = jnp.take(embed_table, input_ids, axis=0)
    # linear projection to scalar value per token: (B, T, 1)
    out = emb @ proj_w.T + proj_b
    return out

if __name__ == "__main__":
    import jax
    _d = setup_inputs()
    print(jax.jit(kernel)(*tuple(_d.values())))

</pallas_src>

<mosaic_0001>
#map = affine_map<(d0, d1) -> (0)>
#map1 = affine_map<(d0, d1) -> (0, 0)>
module attributes {stable_mosaic.version = 14 : i64} {
  func.func @_gather_body(%arg0: i32, %arg1: i32, %arg2: memref<102400xf32, #tpu.memory_space<hbm>>, %arg3: memref<200x4096xi32, #tpu.memory_space<hbm>>, %arg4: memref<200x4096xf32, #tpu.memory_space<hbm>>, %arg5: memref<102400xf32, #tpu.memory_space<vmem>>, %arg6: memref<40x128xi32, #tpu.memory_space<vmem>>, %arg7: memref<40x128xi32, #tpu.memory_space<vmem>>, %arg8: memref<40x128xf32, #tpu.memory_space<vmem>>, %arg9: memref<40x128xf32, #tpu.memory_space<vmem>>, %arg10: memref<!tpu.dma_semaphore, #tpu.memory_space<semaphore_mem>>, %arg11: memref<!tpu.dma_semaphore, #tpu.memory_space<semaphore_mem>>, %arg12: memref<!tpu.dma_semaphore, #tpu.memory_space<semaphore_mem>>, %arg13: memref<!tpu.dma_semaphore, #tpu.memory_space<semaphore_mem>>, %arg14: memref<!tpu.dma_semaphore, #tpu.memory_space<semaphore_mem>>) attributes {dimension_semantics = [#tpu.dimension_semantics<core_parallel>, #tpu.dimension_semantics<subcore_parallel>], iteration_bounds = array<i64: 2, 16>, scalar_prefetch = 0 : i64, scratch_operands = 10 : i64, tpu.core_type = #tpu.core_type<sc_vector_subcore>, window_params = [{transform_indices = #map}, {transform_indices = #map1}, {transform_indices = #map1}]} {
    %mul3A = arith.constant 2 : i32
    %mul3A_0 = arith.muli %arg1, %mul3A : i32
    %add3A = arith.addi %mul3A_0, %arg0 : i32
    %mul3A_1 = arith.constant 128 : i32
    %mul3A_2 = arith.muli %add3A, %mul3A_1 : i32
    tpu.enqueue_dma source(%arg2 : memref<102400xf32, #tpu.memory_space<hbm>>) target(%arg5 : memref<102400xf32, #tpu.memory_space<vmem>>) target_semaphore(%arg10 : memref<!tpu.dma_semaphore, #tpu.memory_space<semaphore_mem>>)
    %dma_start3A = arith.constant 0 : i32
    %dma_start3A_3 = tpu.memref_slice %arg3[%dma_start3A, %mul3A_2] : memref<200x4096xi32, #tpu.memory_space<hbm>> -> memref<40x128xi32, #tpu.memory_space<hbm>>
    %dma_start3A_4 = arith.constant 0 : i32
    %dma_start3A_5 = tpu.memref_slice %arg3[%dma_start3A_4, %mul3A_2] : memref<200x4096xi32, #tpu.memory_space<hbm>> -> memref<40x128xi32, #tpu.memory_space<hbm>>
    tpu.enqueue_dma source(%dma_start3A_5 : memref<40x128xi32, #tpu.memory_space<hbm>>) target(%arg6 : memref<40x128xi32, #tpu.memory_space<vmem>>) target_semaphore(%arg11 : memref<!tpu.dma_semaphore, #tpu.memory_space<semaphore_mem>>)
    %dma_start3A_6 = arith.constant 40 : i32
    %dma_start3A_7 = tpu.memref_slice %arg3[%dma_start3A_6, %mul3A_2] : memref<200x4096xi32, #tpu.memory_space<hbm>> -> memref<40x128xi32, #tpu.memory_space<hbm>>
    %dma_start3A_8 = arith.constant 40 : i32
    %dma_start3A_9 = tpu.memref_slice %arg3[%dma_start3A_8, %mul3A_2] : memref<200x4096xi32, #tpu.memory_space<hbm>> -> memref<40x128xi32, #tpu.memory_space<hbm>>
    tpu.enqueue_dma source(%dma_start3A_9 : memref<40x128xi32, #tpu.memory_space<hbm>>) target(%arg7 : memref<40x128xi32, #tpu.memory_space<vmem>>) target_semaphore(%arg12 : memref<!tpu.dma_semaphore, #tpu.memory_space<semaphore_mem>>)
    tpu.wait_dma2 semaphore(%arg10 : memref<!tpu.dma_semaphore, #tpu.memory_space<semaphore_mem>>) src(%arg2 : memref<102400xf32, #tpu.memory_space<hbm>>) dst(%arg5 : memref<102400xf32, #tpu.memory_space<vmem>>)
    %dma_wait3A = arith.constant 0 : i32
    %dma_wait3A_10 = tpu.memref_slice %arg3[%dma_wait3A, %mul3A_2] : memref<200x4096xi32, #tpu.memory_space<hbm>> -> memref<40x128xi32, #tpu.memory_space<hbm>>
    %dma_wait3A_11 = arith.constant 0 : i32
    %dma_wait3A_12 = tpu.memref_slice %arg3[%dma_wait3A_11, %mul3A_2] : memref<200x4096xi32, #tpu.memory_space<hbm>> -> memref<40x128xi32, #tpu.memory_space<hbm>>
    tpu.wait_dma2 semaphore(%arg11 : memref<!tpu.dma_semaphore, #tpu.memory_space<semaphore_mem>>) src(%dma_wait3A_12 : memref<40x128xi32, #tpu.memory_space<hbm>>) dst(%arg6 : memref<40x128xi32, #tpu.memory_space<vmem>>)
    %parallel_loop3A = arith.constant 0 : i32
    %parallel_loop3A_13 = arith.constant 40 : i32
    %parallel_loop3A_14 = arith.constant 1 : i32
    scf.for %parallel_loop3A_95 = %parallel_loop3A to %parallel_loop3A_13 step %parallel_loop3A_14  : i32 {
      %parallel_loop3A_96 = arith.index_cast %parallel_loop3A_95 : i32 to index
      %parallel_loop3A_97 = arith.constant 0 : index
      %parallel_loop3A_98 = tpu.vector_load %arg6[%parallel_loop3A_96, %parallel_loop3A_97] {strides = array<i32>} : memref<40x128xi32, #tpu.memory_space<vmem>>, vector<16xi32>,
      %parallel_loop3A_99 = tpu.vector_load_idx %arg5[%parallel_loop3A_98] : memref<102400xf32, #tpu.memory_space<vmem>>[vector<16xi32>], vector<16xf32>,
      %parallel_loop3A_100 = arith.index_cast %parallel_loop3A_95 : i32 to index
      %parallel_loop3A_101 = arith.constant 0 : index
      %parallel_loop3A_102 = tpu.vector_load %arg8[%parallel_loop3A_100, %parallel_loop3A_101] {strides = array<i32>} : memref<40x128xf32, #tpu.memory_space<vmem>>, vector<16xf32>,
      tpu.vector_store %arg8[%parallel_loop3A_100, %parallel_loop3A_101], %parallel_loop3A_99 {strides = array<i32>} : memref<40x128xf32, #tpu.memory_space<vmem>>, vector<16xf32>,
      %parallel_loop3A_103 = arith.index_cast %parallel_loop3A_95 : i32 to index
      %parallel_loop3A_104 = arith.constant 16 : index
      %parallel_loop3A_105 = tpu.vector_load %arg6[%parallel_loop3A_103, %parallel_loop3A_104] {strides = array<i32>} : memref<40x128xi32, #tpu.memory_space<vmem>>, vector<16xi32>,
      %parallel_loop3A_106 = tpu.vector_load_idx %arg5[%parallel_loop3A_105] : memref<102400xf32, #tpu.memory_space<vmem>>[vector<16xi32>], vector<16xf32>,
      %parallel_loop3A_107 = arith.index_cast %parallel_loop3A_95 : i32 to index
      %parallel_loop3A_108 = arith.constant 16 : index
      %parallel_loop3A_109 = tpu.vector_load %arg8[%parallel_loop3A_107, %parallel_loop3A_108] {strides = array<i32>} : memref<40x128xf32, #tpu.memory_space<vmem>>, vector<16xf32>,
      tpu.vector_store %arg8[%parallel_loop3A_107, %parallel_loop3A_108], %parallel_loop3A_106 {strides = array<i32>} : memref<40x128xf32, #tpu.memory_space<vmem>>, vector<16xf32>,
      %parallel_loop3A_110 = arith.index_cast %parallel_loop3A_95 : i32 to index
      %parallel_loop3A_111 = arith.constant 32 : index
      %parallel_loop3A_112 = tpu.vector_load %arg6[%parallel_loop3A_110, %parallel_loop3A_111] {strides = array<i32>} : memref<40x128xi32, #tpu.memory_space<vmem>>, vector<16xi32>,
      %parallel_loop3A_113 = tpu.vector_load_idx %arg5[%parallel_loop3A_112] : memref<102400xf32, #tpu.memory_space<vmem>>[vector<16xi32>], vector<16xf32>,
      %parallel_loop3A_114 = arith.index_cast %parallel_loop3A_95 : i32 to index
      %parallel_loop3A_115 = arith.constant 32 : index
      %parallel_loop3A_116 = tpu.vector_load %arg8[%parallel_loop3A_114, %parallel_loop3A_115] {strides = array<i32>} : memref<40x128xf32, #tpu.memory_space<vmem>>, vector<16xf32>,
      tpu.vector_store %arg8[%parallel_loop3A_114, %parallel_loop3A_115], %parallel_loop3A_113 {strides = array<i32>} : memref<40x128xf32, #tpu.memory_space<vmem>>, vector<16xf32>,
      %parallel_loop3A_117 = arith.index_cast %parallel_loop3A_95 : i32 to index
      %parallel_loop3A_118 = arith.constant 48 : index
      %parallel_loop3A_119 = tpu.vector_load %arg6[%parallel_loop3A_117, %parallel_loop3A_118] {strides = array<i32>} : memref<40x128xi32, #tpu.memory_space<vmem>>, vector<16xi32>,
      %parallel_loop3A_120 = tpu.vector_load_idx %arg5[%parallel_loop3A_119] : memref<102400xf32, #tpu.memory_space<vmem>>[vector<16xi32>], vector<16xf32>,
      %parallel_loop3A_121 = arith.index_cast %parallel_loop3A_95 : i32 to index
      %parallel_loop3A_122 = arith.constant 48 : index
      %parallel_loop3A_123 = tpu.vector_load %arg8[%parallel_loop3A_121, %parallel_loop3A_122] {strides = array<i32>} : memref<40x128xf32, #tpu.memory_space<vmem>>, vector<16xf32>,
      tpu.vector_store %arg8[%parallel_loop3A_121, %parallel_loop3A_122], %parallel_loop3A_120 {strides = array<i32>} : memref<40x128xf32, #tpu.memory_space<vmem>>, vector<16xf32>,
      %parallel_loop3A_124 = arith.index_cast %parallel_loop3A_95 : i32 to index
      %parallel_loop3A_125 = arith.constant 64 : index
      %parallel_loop3A_126 = tpu.vector_load %arg6[%parallel_loop3A_124, %parallel_loop3A_125] {strides = array<i32>} : memref<40x128xi32, #tpu.memory_space<vmem>>, vector<16xi32>,
      %parallel_loop3A_127 = tpu.vector_load_idx %arg5[%parallel_loop3A_126] : memref<102400xf32, #tpu.memory_space<vmem>>[vector<16xi32>], vector<16xf32>,
      %parallel_loop3A_128 = arith.index_cast %parallel_loop3A_95 : i32 to index
      %parallel_loop3A_129 = arith.constant 64 : index
      %parallel_loop3A_130 = tpu.vector_load %arg8[%parallel_loop3A_128, %parallel_loop3A_129] {strides = array<i32>} : memref<40x128xf32, #tpu.memory_space<vmem>>, vector<16xf32>,
      tpu.vector_store %arg8[%parallel_loop3A_128, %parallel_loop3A_129], %parallel_loop3A_127 {strides = array<i32>} : memref<40x128xf32, #tpu.memory_space<vmem>>, vector<16xf32>,
      %parallel_loop3A_131 = arith.index_cast %parallel_loop3A_95 : i32 to index
      %parallel_loop3A_132 = arith.constant 80 : index
      %parallel_loop3A_133 = tpu.vector_load %arg6[%parallel_loop3A_131, %parallel_loop3A_132] {strides = array<i32>} : memref<40x128xi32, #tpu.memory_space<vmem>>, vector<16xi32>,
      %parallel_loop3A_134 = tpu.vector_load_idx %arg5[%parallel_loop3A_133] : memref<102400xf32, #tpu.memory_space<vmem>>[vector<16xi32>], vector<16xf32>,
      %parallel_loop3A_135 = arith.index_cast %parallel_loop3A_95 : i32 to index
      %parallel_loop3A_136 = arith.constant 80 : index
      %parallel_loop3A_137 = tpu.vector_load %arg8[%parallel_loop3A_135, %parallel_loop3A_136] {strides = array<i32>} : memref<40x128xf32, #tpu.memory_space<vmem>>, vector<16xf32>,
      tpu.vector_store %arg8[%parallel_loop3A_135, %parallel_loop3A_136], %parallel_loop3A_134 {strides = array<i32>} : memref<40x128xf32, #tpu.memory_space<vmem>>, vector<16xf32>,
      %parallel_loop3A_138 = arith.index_cast %parallel_loop3A_95 : i32 to index
      %parallel_loop3A_139 = arith.constant 96 : index
      %parallel_loop3A_140 = tpu.vector_load %arg6[%parallel_loop3A_138, %parallel_loop3A_139] {strides = array<i32>} : memref<40x128xi32, #tpu.memory_space<vmem>>, vector<16xi32>,
      %parallel_loop3A_141 = tpu.vector_load_idx %arg5[%parallel_loop3A_140] : memref<102400xf32, #tpu.memory_space<vmem>>[vector<16xi32>], vector<16xf32>,
      %parallel_loop3A_142 = arith.index_cast %parallel_loop3A_95 : i32 to index
      %parallel_loop3A_143 = arith.constant 96 : index
      %parallel_loop3A_144 = tpu.vector_load %arg8[%parallel_loop3A_142, %parallel_loop3A_143] {strides = array<i32>} : memref<40x128xf32, #tpu.memory_space<vmem>>, vector<16xf32>,
      tpu.vector_store %arg8[%parallel_loop3A_142, %parallel_loop3A_143], %parallel_loop3A_141 {strides = array<i32>} : memref<40x128xf32, #tpu.memory_space<vmem>>, vector<16xf32>,
      %parallel_loop3A_145 = arith.index_cast %parallel_loop3A_95 : i32 to index
      %parallel_loop3A_146 = arith.constant 112 : index
      %parallel_loop3A_147 = tpu.vector_load %arg6[%parallel_loop3A_145, %parallel_loop3A_146] {strides = array<i32>} : memref<40x128xi32, #tpu.memory_space<vmem>>, vector<16xi32>,
      %parallel_loop3A_148 = tpu.vector_load_idx %arg5[%parallel_loop3A_147] : memref<102400xf32, #tpu.memory_space<vmem>>[vector<16xi32>], vector<16xf32>,
      %parallel_loop3A_149 = arith.index_cast %parallel_loop3A_95 : i32 to index
      %parallel_loop3A_150 = arith.constant 112 : index
      %parallel_loop3A_151 = tpu.vector_load %arg8[%parallel_loop3A_149, %parallel_loop3A_150] {strides = array<i32>} : memref<40x128xf32, #tpu.memory_space<vmem>>, vector<16xf32>,
      tpu.vector_store %arg8[%parallel_loop3A_149, %parallel_loop3A_150], %parallel_loop3A_148 {strides = array<i32>} : memref<40x128xf32, #tpu.memory_space<vmem>>, vector<16xf32>,
    } {sc.loop_unroll_factor = 2 : i64, sc.parallel_access}
    %dma_start3A_15 = arith.constant 0 : i32
    %dma_start3A_16 = tpu.memref_slice %arg4[%dma_start3A_15, %mul3A_2] : memref<200x4096xf32, #tpu.memory_space<hbm>> -> memref<40x128xf32, #tpu.memory_space<hbm>>
    %dma_start3A_17 = arith.constant 0 : i32
    %dma_start3A_18 = tpu.memref_slice %arg4[%dma_start3A_17, %mul3A_2] : memref<200x4096xf32, #tpu.memory_space<hbm>> -> memref<40x128xf32, #tpu.memory_space<hbm>>
    tpu.enqueue_dma source(%arg8 : memref<40x128xf32, #tpu.memory_space<vmem>>) target(%dma_start3A_18 : memref<40x128xf32, #tpu.memory_space<hbm>>) target_semaphore(%arg13 : memref<!tpu.dma_semaphore, #tpu.memory_space<semaphore_mem>>)
    %dma_start3A_19 = arith.constant 80 : i32
    %dma_start3A_20 = tpu.memref_slice %arg3[%dma_start3A_19, %mul3A_2] : memref<200x4096xi32, #tpu.memory_space<hbm>> -> memref<40x128xi32, #tpu.memory_space<hbm>>
    %dma_start3A_21 = arith.constant 80 : i32
    %dma_start3A_22 = tpu.memref_slice %arg3[%dma_start3A_21, %mul3A_2] : memref<200x4096xi32, #tpu.memory_space<hbm>> -> memref<40x128xi32, #tpu.memory_space<hbm>>
    tpu.enqueue_dma source(%dma_start3A_22 : memref<40x128xi32, #tpu.memory_space<hbm>>) target(%arg6 : memref<40x128xi32, #tpu.memory_space<vmem>>) target_semaphore(%arg11 : memref<!tpu.dma_semaphore, #tpu.memory_space<semaphore_mem>>)
    %dma_wait3A_23 = arith.constant 40 : i32
    %dma_wait3A_24 = tpu.memref_slice %arg3[%dma_wait3A_23, %mul3A_2] : memref<200x4096xi32, #tpu.memory_space<hbm>> -> memref<40x128xi32, #tpu.memory_space<hbm>>
    %dma_wait3A_25 = arith.constant 40 : i32
    %dma_wait3A_26 = tpu.memref_slice %arg3[%dma_wait3A_25, %mul3A_2] : memref<200x4096xi32, #tpu.memory_space<hbm>> -> memref<40x128xi32, #tpu.memory_space<hbm>>
    tpu.wait_dma2 semaphore(%arg12 : memref<!tpu.dma_semaphore, #tpu.memory_space<semaphore_mem>>) src(%dma_wait3A_26 : memref<40x128xi32, #tpu.memory_space<hbm>>) dst(%arg7 : memref<40x128xi32, #tpu.memory_space<vmem>>)
    %parallel_loop3A_27 = arith.constant 0 : i32
    %parallel_loop3A_28 = arith.constant 40 : i32
    %parallel_loop3A_29 = arith.constant 1 : i32
    scf.for %parallel_loop3A_95 = %parallel_loop3A_27 to %parallel_loop3A_28 step %parallel_loop3A_29  : i32 {
      %parallel_loop3A_96 = arith.index_cast %parallel_loop3A_95 : i32 to index
      %parallel_loop3A_97 = arith.constant 0 : index
      %parallel_loop3A_98 = tpu.vector_load %arg7[%parallel_loop3A_96, %parallel_loop3A_97] {strides = array<i32>} : memref<40x128xi32, #tpu.memory_space<vmem>>, vector<16xi32>,
      %parallel_loop3A_99 = tpu.vector_load_idx %arg5[%parallel_loop3A_98] : memref<102400xf32, #tpu.memory_space<vmem>>[vector<16xi32>], vector<16xf32>,
      %parallel_loop3A_100 = arith.index_cast %parallel_loop3A_95 : i32 to index
      %parallel_loop3A_101 = arith.constant 0 : index
      %parallel_loop3A_102 = tpu.vector_load %arg9[%parallel_loop3A_100, %parallel_loop3A_101] {strides = array<i32>} : memref<40x128xf32, #tpu.memory_space<vmem>>, vector<16xf32>,
      tpu.vector_store %arg9[%parallel_loop3A_100, %parallel_loop3A_101], %parallel_loop3A_99 {strides = array<i32>} : memref<40x128xf32, #tpu.memory_space<vmem>>, vector<16xf32>,
      %parallel_loop3A_103 = arith.index_cast %parallel_loop3A_95 : i32 to index
      %parallel_loop3A_104 = arith.constant 16 : index
      %parallel_loop3A_105 = tpu.vector_load %arg7[%parallel_loop3A_103, %parallel_loop3A_104] {strides = array<i32>} : memref<40x128xi32, #tpu.memory_space<vmem>>, vector<16xi32>,
      %parallel_loop3A_106 = tpu.vector_load_idx %arg5[%parallel_loop3A_105] : memref<102400xf32, #tpu.memory_space<vmem>>[vector<16xi32>], vector<16xf32>,
      %parallel_loop3A_107 = arith.index_cast %parallel_loop3A_95 : i32 to index
      %parallel_loop3A_108 = arith.constant 16 : index
      %parallel_loop3A_109 = tpu.vector_load %arg9[%parallel_loop3A_107, %parallel_loop3A_108] {strides = array<i32>} : memref<40x128xf32, #tpu.memory_space<vmem>>, vector<16xf32>,
      tpu.vector_store %arg9[%parallel_loop3A_107, %parallel_loop3A_108], %parallel_loop3A_106 {strides = array<i32>} : memref<40x128xf32, #tpu.memory_space<vmem>>, vector<16xf32>,
      %parallel_loop3A_110 = arith.index_cast %parallel_loop3A_95 : i32 to index
      %parallel_loop3A_111 = arith.constant 32 : index
      %parallel_loop3A_112 = tpu.vector_load %arg7[%parallel_loop3A_110, %parallel_loop3A_111] {strides = array<i32>} : memref<40x128xi32, #tpu.memory_space<vmem>>, vector<16xi32>,
      %parallel_loop3A_113 = tpu.vector_load_idx %arg5[%parallel_loop3A_112] : memref<102400xf32, #tpu.memory_space<vmem>>[vector<16xi32>], vector<16xf32>,
      %parallel_loop3A_114 = arith.index_cast %parallel_loop3A_95 : i32 to index
      %parallel_loop3A_115 = arith.constant 32 : index
      %parallel_loop3A_116 = tpu.vector_load %arg9[%parallel_loop3A_114, %parallel_loop3A_115] {strides = array<i32>} : memref<40x128xf32, #tpu.memory_space<vmem>>, vector<16xf32>,
      tpu.vector_store %arg9[%parallel_loop3A_114, %parallel_loop3A_115], %parallel_loop3A_113 {strides = array<i32>} : memref<40x128xf32, #tpu.memory_space<vmem>>, vector<16xf32>,
      %parallel_loop3A_117 = arith.index_cast %parallel_loop3A_95 : i32 to index
      %parallel_loop3A_118 = arith.constant 48 : index
      %parallel_loop3A_119 = tpu.vector_load %arg7[%parallel_loop3A_117, %parallel_loop3A_118] {strides = array<i32>} : memref<40x128xi32, #tpu.memory_space<vmem>>, vector<16xi32>,
      %parallel_loop3A_120 = tpu.vector_load_idx %arg5[%parallel_loop3A_119] : memref<102400xf32, #tpu.memory_space<vmem>>[vector<16xi32>], vector<16xf32>,
      %parallel_loop3A_121 = arith.index_cast %parallel_loop3A_95 : i32 to index
      %parallel_loop3A_122 = arith.constant 48 : index
      %parallel_loop3A_123 = tpu.vector_load %arg9[%parallel_loop3A_121, %parallel_loop3A_122] {strides = array<i32>} : memref<40x128xf32, #tpu.memory_space<vmem>>, vector<16xf32>,
      tpu.vector_store %arg9[%parallel_loop3A_121, %parallel_loop3A_122], %parallel_loop3A_120 {strides = array<i32>} : memref<40x128xf32, #tpu.memory_space<vmem>>, vector<16xf32>,
      %parallel_loop3A_124 = arith.index_cast %parallel_loop3A_95 : i32 to index
      %parallel_loop3A_125 = arith.constant 64 : index
      %parallel_loop3A_126 = tpu.vector_load %arg7[%parallel_loop3A_124, %parallel_loop3A_125] {strides = array<i32>} : memref<40x128xi32, #tpu.memory_space<vmem>>, vector<16xi32>,
      %parallel_loop3A_127 = tpu.vector_load_idx %arg5[%parallel_loop3A_126] : memref<102400xf32, #tpu.memory_space<vmem>>[vector<16xi32>], vector<16xf32>,
      %parallel_loop3A_128 = arith.index_cast %parallel_loop3A_95 : i32 to index
      %parallel_loop3A_129 = arith.constant 64 : index
      %parallel_loop3A_130 = tpu.vector_load %arg9[%parallel_loop3A_128, %parallel_loop3A_129] {strides = array<i32>} : memref<40x128xf32, #tpu.memory_space<vmem>>, vector<16xf32>,
      tpu.vector_store %arg9[%parallel_loop3A_128, %parallel_loop3A_129], %parallel_loop3A_127 {strides = array<i32>} : memref<40x128xf32, #tpu.memory_space<vmem>>, vector<16xf32>,
      %parallel_loop3A_131 = arith.index_cast %parallel_loop3A_95 : i32 to index
      %parallel_loop3A_132 = arith.constant 80 : index
      %parallel_loop3A_133 = tpu.vector_load %arg7[%parallel_loop3A_131, %parallel_loop3A_132] {strides = array<i32>} : memref<40x128xi32, #tpu.memory_space<vmem>>, vector<16xi32>,
      %parallel_loop3A_134 = tpu.vector_load_idx %arg5[%parallel_loop3A_133] : memref<102400xf32, #tpu.memory_space<vmem>>[vector<16xi32>], vector<16xf32>,
      %parallel_loop3A_135 = arith.index_cast %parallel_loop3A_95 : i32 to index
      %parallel_loop3A_136 = arith.constant 80 : index
      %parallel_loop3A_137 = tpu.vector_load %arg9[%parallel_loop3A_135, %parallel_loop3A_136] {strides = array<i32>} : memref<40x128xf32, #tpu.memory_space<vmem>>, vector<16xf32>,
      tpu.vector_store %arg9[%parallel_loop3A_135, %parallel_loop3A_136], %parallel_loop3A_134 {strides = array<i32>} : memref<40x128xf32, #tpu.memory_space<vmem>>, vector<16xf32>,
      %parallel_loop3A_138 = arith.index_cast %parallel_loop3A_95 : i32 to index
      %parallel_loop3A_139 = arith.constant 96 : index
      %parallel_loop3A_140 = tpu.vector_load %arg7[%parallel_loop3A_138, %parallel_loop3A_139] {strides = array<i32>} : memref<40x128xi32, #tpu.memory_space<vmem>>, vector<16xi32>,
      %parallel_loop3A_141 = tpu.vector_load_idx %arg5[%parallel_loop3A_140] : memref<102400xf32, #tpu.memory_space<vmem>>[vector<16xi32>], vector<16xf32>,
      %parallel_loop3A_142 = arith.index_cast %parallel_loop3A_95 : i32 to index
      %parallel_loop3A_143 = arith.constant 96 : index
      %parallel_loop3A_144 = tpu.vector_load %arg9[%parallel_loop3A_142, %parallel_loop3A_143] {strides = array<i32>} : memref<40x128xf32, #tpu.memory_space<vmem>>, vector<16xf32>,
      tpu.vector_store %arg9[%parallel_loop3A_142, %parallel_loop3A_143], %parallel_loop3A_141 {strides = array<i32>} : memref<40x128xf32, #tpu.memory_space<vmem>>, vector<16xf32>,
      %parallel_loop3A_145 = arith.index_cast %parallel_loop3A_95 : i32 to index
      %parallel_loop3A_146 = arith.constant 112 : index
      %parallel_loop3A_147 = tpu.vector_load %arg7[%parallel_loop3A_145, %parallel_loop3A_146] {strides = array<i32>} : memref<40x128xi32, #tpu.memory_space<vmem>>, vector<16xi32>,
      %parallel_loop3A_148 = tpu.vector_load_idx %arg5[%parallel_loop3A_147] : memref<102400xf32, #tpu.memory_space<vmem>>[vector<16xi32>], vector<16xf32>,
      %parallel_loop3A_149 = arith.index_cast %parallel_loop3A_95 : i32 to index
      %parallel_loop3A_150 = arith.constant 112 : index
      %parallel_loop3A_151 = tpu.vector_load %arg9[%parallel_loop3A_149, %parallel_loop3A_150] {strides = array<i32>} : memref<40x128xf32, #tpu.memory_space<vmem>>, vector<16xf32>,
      tpu.vector_store %arg9[%parallel_loop3A_149, %parallel_loop3A_150], %parallel_loop3A_148 {strides = array<i32>} : memref<40x128xf32, #tpu.memory_space<vmem>>, vector<16xf32>,
    } {sc.loop_unroll_factor = 2 : i64, sc.parallel_access}
    %dma_start3A_30 = arith.constant 40 : i32
    %dma_start3A_31 = tpu.memref_slice %arg4[%dma_start3A_30, %mul3A_2] : memref<200x4096xf32, #tpu.memory_space<hbm>> -> memref<40x128xf32, #tpu.memory_space<hbm>>
    %dma_start3A_32 = arith.constant 40 : i32
    %dma_start3A_33 = tpu.memref_slice %arg4[%dma_start3A_32, %mul3A_2] : memref<200x4096xf32, #tpu.memory_space<hbm>> -> memref<40x128xf32, #tpu.memory_space<hbm>>
    tpu.enqueue_dma source(%arg9 : memref<40x128xf32, #tpu.memory_space<vmem>>) target(%dma_start3A_33 : memref<40x128xf32, #tpu.memory_space<hbm>>) target_semaphore(%arg14 : memref<!tpu.dma_semaphore, #tpu.memory_space<semaphore_mem>>)
    %dma_start3A_34 = arith.constant 120 : i32
    %dma_start3A_35 = tpu.memref_slice %arg3[%dma_start3A_34, %mul3A_2] : memref<200x4096xi32, #tpu.memory_space<hbm>> -> memref<40x128xi32, #tpu.memory_space<hbm>>
    %dma_start3A_36 = arith.constant 120 : i32
    %dma_start3A_37 = tpu.memref_slice %arg3[%dma_start3A_36, %mul3A_2] : memref<200x4096xi32, #tpu.memory_space<hbm>> -> memref<40x128xi32, #tpu.memory_space<hbm>>
    tpu.enqueue_dma source(%dma_start3A_37 : memref<40x128xi32, #tpu.memory_space<hbm>>) target(%arg7 : memref<40x128xi32, #tpu.memory_space<vmem>>) target_semaphore(%arg12 : memref<!tpu.dma_semaphore, #tpu.memory_space<semaphore_mem>>)
    %dma_wait3A_38 = arith.constant 80 : i32
    %dma_wait3A_39 = tpu.memref_slice %arg3[%dma_wait3A_38, %mul3A_2] : memref<200x4096xi32, #tpu.memory_space<hbm>> -> memref<40x128xi32, #tpu.memory_space<hbm>>
    %dma_wait3A_40 = arith.constant 80 : i32
    %dma_wait3A_41 = tpu.memref_slice %arg3[%dma_wait3A_40, %mul3A_2] : memref<200x4096xi32, #tpu.memory_space<hbm>> -> memref<40x128xi32, #tpu.memory_space<hbm>>
    tpu.wait_dma2 semaphore(%arg11 : memref<!tpu.dma_semaphore, #tpu.memory_space<semaphore_mem>>) src(%dma_wait3A_41 : memref<40x128xi32, #tpu.memory_space<hbm>>) dst(%arg6 : memref<40x128xi32, #tpu.memory_space<vmem>>)
    %dma_wait3A_42 = arith.constant 0 : i32
    %dma_wait3A_43 = tpu.memref_slice %arg4[%dma_wait3A_42, %mul3A_2] : memref<200x4096xf32, #tpu.memory_space<hbm>> -> memref<40x128xf32, #tpu.memory_space<hbm>>
    %dma_wait3A_44 = arith.constant 0 : i32
    %dma_wait3A_45 = tpu.memref_slice %arg4[%dma_wait3A_44, %mul3A_2] : memref<200x4096xf32, #tpu.memory_space<hbm>> -> memref<40x128xf32, #tpu.memory_space<hbm>>
    tpu.wait_dma2 semaphore(%arg13 : memref<!tpu.dma_semaphore, #tpu.memory_space<semaphore_mem>>) src(%arg8 : memref<40x128xf32, #tpu.memory_space<vmem>>) dst(%dma_wait3A_45 : memref<40x128xf32, #tpu.memory_space<hbm>>)
    %parallel_loop3A_46 = arith.constant 0 : i32
    %parallel_loop3A_47 = arith.constant 40 : i32
    %parallel_loop3A_48 = arith.constant 1 : i32
    scf.for %parallel_loop3A_95 = %parallel_loop3A_46 to %parallel_loop3A_47 step %parallel_loop3A_48  : i32 {
      %parallel_loop3A_96 = arith.index_cast %parallel_loop3A_95 : i32 to index
      %parallel_loop3A_97 = arith.constant 0 : index
      %parallel_loop3A_98 = tpu.vector_load %arg6[%parallel_loop3A_96, %parallel_loop3A_97] {strides = array<i32>} : memref<40x128xi32, #tpu.memory_space<vmem>>, vector<16xi32>,
      %parallel_loop3A_99 = tpu.vector_load_idx %arg5[%parallel_loop3A_98] : memref<102400xf32, #tpu.memory_space<vmem>>[vector<16xi32>], vector<16xf32>,
      %parallel_loop3A_100 = arith.index_cast %parallel_loop3A_95 : i32 to index
      %parallel_loop3A_101 = arith.constant 0 : index
      %parallel_loop3A_102 = tpu.vector_load %arg8[%parallel_loop3A_100, %parallel_loop3A_101] {strides = array<i32>} : memref<40x128xf32, #tpu.memory_space<vmem>>, vector<16xf32>,
      tpu.vector_store %arg8[%parallel_loop3A_100, %parallel_loop3A_101], %parallel_loop3A_99 {strides = array<i32>} : memref<40x128xf32, #tpu.memory_space<vmem>>, vector<16xf32>,
      %parallel_loop3A_103 = arith.index_cast %parallel_loop3A_95 : i32 to index
      %parallel_loop3A_104 = arith.constant 16 : index
      %parallel_loop3A_105 = tpu.vector_load %arg6[%parallel_loop3A_103, %parallel_loop3A_104] {strides = array<i32>} : memref<40x128xi32, #tpu.memory_space<vmem>>, vector<16xi32>,
      %parallel_loop3A_106 = tpu.vector_load_idx %arg5[%parallel_loop3A_105] : memref<102400xf32, #tpu.memory_space<vmem>>[vector<16xi32>], vector<16xf32>,
      %parallel_loop3A_107 = arith.index_cast %parallel_loop3A_95 : i32 to index
      %parallel_loop3A_108 = arith.constant 16 : index
      %parallel_loop3A_109 = tpu.vector_load %arg8[%parallel_loop3A_107, %parallel_loop3A_108] {strides = array<i32>} : memref<40x128xf32, #tpu.memory_space<vmem>>, vector<16xf32>,
      tpu.vector_store %arg8[%parallel_loop3A_107, %parallel_loop3A_108], %parallel_loop3A_106 {strides = array<i32>} : memref<40x128xf32, #tpu.memory_space<vmem>>, vector<16xf32>,
      %parallel_loop3A_110 = arith.index_cast %parallel_loop3A_95 : i32 to index
      %parallel_loop3A_111 = arith.constant 32 : index
      %parallel_loop3A_112 = tpu.vector_load %arg6[%parallel_loop3A_110, %parallel_loop3A_111] {strides = array<i32>} : memref<40x128xi32, #tpu.memory_space<vmem>>, vector<16xi32>,
      %parallel_loop3A_113 = tpu.vector_load_idx %arg5[%parallel_loop3A_112] : memref<102400xf32, #tpu.memory_space<vmem>>[vector<16xi32>], vector<16xf32>,
      %parallel_loop3A_114 = arith.index_cast %parallel_loop3A_95 : i32 to index
      %parallel_loop3A_115 = arith.constant 32 : index
      %parallel_loop3A_116 = tpu.vector_load %arg8[%parallel_loop3A_114, %parallel_loop3A_115] {strides = array<i32>} : memref<40x128xf32, #tpu.memory_space<vmem>>, vector<16xf32>,
      tpu.vector_store %arg8[%parallel_loop3A_114, %parallel_loop3A_115], %parallel_loop3A_113 {strides = array<i32>} : memref<40x128xf32, #tpu.memory_space<vmem>>, vector<16xf32>,
      %parallel_loop3A_117 = arith.index_cast %parallel_loop3A_95 : i32 to index
      %parallel_loop3A_118 = arith.constant 48 : index
      %parallel_loop3A_119 = tpu.vector_load %arg6[%parallel_loop3A_117, %parallel_loop3A_118] {strides = array<i32>} : memref<40x128xi32, #tpu.memory_space<vmem>>, vector<16xi32>,
      %parallel_loop3A_120 = tpu.vector_load_idx %arg5[%parallel_loop3A_119] : memref<102400xf32, #tpu.memory_space<vmem>>[vector<16xi32>], vector<16xf32>,
      %parallel_loop3A_121 = arith.index_cast %parallel_loop3A_95 : i32 to index
      %parallel_loop3A_122 = arith.constant 48 : index
      %parallel_loop3A_123 = tpu.vector_load %arg8[%parallel_loop3A_121, %parallel_loop3A_122] {strides = array<i32>} : memref<40x128xf32, #tpu.memory_space<vmem>>, vector<16xf32>,
      tpu.vector_store %arg8[%parallel_loop3A_121, %parallel_loop3A_122], %parallel_loop3A_120 {strides = array<i32>} : memref<40x128xf32, #tpu.memory_space<vmem>>, vector<16xf32>,
      %parallel_loop3A_124 = arith.index_cast %parallel_loop3A_95 : i32 to index
      %parallel_loop3A_125 = arith.constant 64 : index
      %parallel_loop3A_126 = tpu.vector_load %arg6[%parallel_loop3A_124, %parallel_loop3A_125] {strides = array<i32>} : memref<40x128xi32, #tpu.memory_space<vmem>>, vector<16xi32>,
      %parallel_loop3A_127 = tpu.vector_load_idx %arg5[%parallel_loop3A_126] : memref<102400xf32, #tpu.memory_space<vmem>>[vector<16xi32>], vector<16xf32>,
      %parallel_loop3A_128 = arith.index_cast %parallel_loop3A_95 : i32 to index
      %parallel_loop3A_129 = arith.constant 64 : index
      %parallel_loop3A_130 = tpu.vector_load %arg8[%parallel_loop3A_128, %parallel_loop3A_129] {strides = array<i32>} : memref<40x128xf32, #tpu.memory_space<vmem>>, vector<16xf32>,
      tpu.vector_store %arg8[%parallel_loop3A_128, %parallel_loop3A_129], %parallel_loop3A_127 {strides = array<i32>} : memref<40x128xf32, #tpu.memory_space<vmem>>, vector<16xf32>,
      %parallel_loop3A_131 = arith.index_cast %parallel_loop3A_95 : i32 to index
      %parallel_loop3A_132 = arith.constant 80 : index
      %parallel_loop3A_133 = tpu.vector_load %arg6[%parallel_loop3A_131, %parallel_loop3A_132] {strides = array<i32>} : memref<40x128xi32, #tpu.memory_space<vmem>>, vector<16xi32>,
      %parallel_loop3A_134 = tpu.vector_load_idx %arg5[%parallel_loop3A_133] : memref<102400xf32, #tpu.memory_space<vmem>>[vector<16xi32>], vector<16xf32>,
      %parallel_loop3A_135 = arith.index_cast %parallel_loop3A_95 : i32 to index
      %parallel_loop3A_136 = arith.constant 80 : index
      %parallel_loop3A_137 = tpu.vector_load %arg8[%parallel_loop3A_135, %parallel_loop3A_136] {strides = array<i32>} : memref<40x128xf32, #tpu.memory_space<vmem>>, vector<16xf32>,
      tpu.vector_store %arg8[%parallel_loop3A_135, %parallel_loop3A_136], %parallel_loop3A_134 {strides = array<i32>} : memref<40x128xf32, #tpu.memory_space<vmem>>, vector<16xf32>,
      %parallel_loop3A_138 = arith.index_cast %parallel_loop3A_95 : i32 to index
      %parallel_loop3A_139 = arith.constant 96 : index
      %parallel_loop3A_140 = tpu.vector_load %arg6[%parallel_loop3A_138, %parallel_loop3A_139] {strides = array<i32>} : memref<40x128xi32, #tpu.memory_space<vmem>>, vector<16xi32>,
      %parallel_loop3A_141 = tpu.vector_load_idx %arg5[%parallel_loop3A_140] : memref<102400xf32, #tpu.memory_space<vmem>>[vector<16xi32>], vector<16xf32>,
      %parallel_loop3A_142 = arith.index_cast %parallel_loop3A_95 : i32 to index
      %parallel_loop3A_143 = arith.constant 96 : index
      %parallel_loop3A_144 = tpu.vector_load %arg8[%parallel_loop3A_142, %parallel_loop3A_143] {strides = array<i32>} : memref<40x128xf32, #tpu.memory_space<vmem>>, vector<16xf32>,
      tpu.vector_store %arg8[%parallel_loop3A_142, %parallel_loop3A_143], %parallel_loop3A_141 {strides = array<i32>} : memref<40x128xf32, #tpu.memory_space<vmem>>, vector<16xf32>,
      %parallel_loop3A_145 = arith.index_cast %parallel_loop3A_95 : i32 to index
      %parallel_loop3A_146 = arith.constant 112 : index
      %parallel_loop3A_147 = tpu.vector_load %arg6[%parallel_loop3A_145, %parallel_loop3A_146] {strides = array<i32>} : memref<40x128xi32, #tpu.memory_space<vmem>>, vector<16xi32>,
      %parallel_loop3A_148 = tpu.vector_load_idx %arg5[%parallel_loop3A_147] : memref<102400xf32, #tpu.memory_space<vmem>>[vector<16xi32>], vector<16xf32>,
      %parallel_loop3A_149 = arith.index_cast %parallel_loop3A_95 : i32 to index
      %parallel_loop3A_150 = arith.constant 112 : index
      %parallel_loop3A_151 = tpu.vector_load %arg8[%parallel_loop3A_149, %parallel_loop3A_150] {strides = array<i32>} : memref<40x128xf32, #tpu.memory_space<vmem>>, vector<16xf32>,
      tpu.vector_store %arg8[%parallel_loop3A_149, %parallel_loop3A_150], %parallel_loop3A_148 {strides = array<i32>} : memref<40x128xf32, #tpu.memory_space<vmem>>, vector<16xf32>,
    } {sc.loop_unroll_factor = 2 : i64, sc.parallel_access}
    %dma_start3A_49 = arith.constant 80 : i32
    %dma_start3A_50 = tpu.memref_slice %arg4[%dma_start3A_49, %mul3A_2] : memref<200x4096xf32, #tpu.memory_space<hbm>> -> memref<40x128xf32, #tpu.memory_space<hbm>>
    %dma_start3A_51 = arith.constant 80 : i32
    %dma_start3A_52 = tpu.memref_slice %arg4[%dma_start3A_51, %mul3A_2] : memref<200x4096xf32, #tpu.memory_space<hbm>> -> memref<40x128xf32, #tpu.memory_space<hbm>>
    tpu.enqueue_dma source(%arg8 : memref<40x128xf32, #tpu.memory_space<vmem>>) target(%dma_start3A_52 : memref<40x128xf32, #tpu.memory_space<hbm>>) target_semaphore(%arg13 : memref<!tpu.dma_semaphore, #tpu.memory_space<semaphore_mem>>)
    %dma_start3A_53 = arith.constant 160 : i32
    %dma_start3A_54 = tpu.memref_slice %arg3[%dma_start3A_53, %mul3A_2] : memref<200x4096xi32, #tpu.memory_space<hbm>> -> memref<40x128xi32, #tpu.memory_space<hbm>>
    %dma_start3A_55 = arith.constant 160 : i32
    %dma_start3A_56 = tpu.memref_slice %arg3[%dma_start3A_55, %mul3A_2] : memref<200x4096xi32, #tpu.memory_space<hbm>> -> memref<40x128xi32, #tpu.memory_space<hbm>>
    tpu.enqueue_dma source(%dma_start3A_56 : memref<40x128xi32, #tpu.memory_space<hbm>>) target(%arg6 : memref<40x128xi32, #tpu.memory_space<vmem>>) target_semaphore(%arg11 : memref<!tpu.dma_semaphore, #tpu.memory_space<semaphore_mem>>)
    %dma_wait3A_57 = arith.constant 120 : i32
    %dma_wait3A_58 = tpu.memref_slice %arg3[%dma_wait3A_57, %mul3A_2] : memref<200x4096xi32, #tpu.memory_space<hbm>> -> memref<40x128xi32, #tpu.memory_space<hbm>>
    %dma_wait3A_59 = arith.constant 120 : i32
    %dma_wait3A_60 = tpu.memref_slice %arg3[%dma_wait3A_59, %mul3A_2] : memref<200x4096xi32, #tpu.memory_space<hbm>> -> memref<40x128xi32, #tpu.memory_space<hbm>>
    tpu.wait_dma2 semaphore(%arg12 : memref<!tpu.dma_semaphore, #tpu.memory_space<semaphore_mem>>) src(%dma_wait3A_60 : memref<40x128xi32, #tpu.memory_space<hbm>>) dst(%arg7 : memref<40x128xi32, #tpu.memory_space<vmem>>)
    %dma_wait3A_61 = arith.constant 40 : i32
    %dma_wait3A_62 = tpu.memref_slice %arg4[%dma_wait3A_61, %mul3A_2] : memref<200x4096xf32, #tpu.memory_space<hbm>> -> memref<40x128xf32, #tpu.memory_space<hbm>>
    %dma_wait3A_63 = arith.constant 40 : i32
    %dma_wait3A_64 = tpu.memref_slice %arg4[%dma_wait3A_63, %mul3A_2] : memref<200x4096xf32, #tpu.memory_space<hbm>> -> memref<40x128xf32, #tpu.memory_space<hbm>>
    tpu.wait_dma2 semaphore(%arg14 : memref<!tpu.dma_semaphore, #tpu.memory_space<semaphore_mem>>) src(%arg9 : memref<40x128xf32, #tpu.memory_space<vmem>>) dst(%dma_wait3A_64 : memref<40x128xf32, #tpu.memory_space<hbm>>)
    %parallel_loop3A_65 = arith.constant 0 : i32
    %parallel_loop3A_66 = arith.constant 40 : i32
    %parallel_loop3A_67 = arith.constant 1 : i32
    scf.for %parallel_loop3A_95 = %parallel_loop3A_65 to %parallel_loop3A_66 step %parallel_loop3A_67  : i32 {
      %parallel_loop3A_96 = arith.index_cast %parallel_loop3A_95 : i32 to index
      %parallel_loop3A_97 = arith.constant 0 : index
      %parallel_loop3A_98 = tpu.vector_load %arg7[%parallel_loop3A_96, %parallel_loop3A_97] {strides = array<i32>} : memref<40x128xi32, #tpu.memory_space<vmem>>, vector<16xi32>,
      %parallel_loop3A_99 = tpu.vector_load_idx %arg5[%parallel_loop3A_98] : memref<102400xf32, #tpu.memory_space<vmem>>[vector<16xi32>], vector<16xf32>,
      %parallel_loop3A_100 = arith.index_cast %parallel_loop3A_95 : i32 to index
      %parallel_loop3A_101 = arith.constant 0 : index
      %parallel_loop3A_102 = tpu.vector_load %arg9[%parallel_loop3A_100, %parallel_loop3A_101] {strides = array<i32>} : memref<40x128xf32, #tpu.memory_space<vmem>>, vector<16xf32>,
      tpu.vector_store %arg9[%parallel_loop3A_100, %parallel_loop3A_101], %parallel_loop3A_99 {strides = array<i32>} : memref<40x128xf32, #tpu.memory_space<vmem>>, vector<16xf32>,
      %parallel_loop3A_103 = arith.index_cast %parallel_loop3A_95 : i32 to index
      %parallel_loop3A_104 = arith.constant 16 : index
      %parallel_loop3A_105 = tpu.vector_load %arg7[%parallel_loop3A_103, %parallel_loop3A_104] {strides = array<i32>} : memref<40x128xi32, #tpu.memory_space<vmem>>, vector<16xi32>,
      %parallel_loop3A_106 = tpu.vector_load_idx %arg5[%parallel_loop3A_105] : memref<102400xf32, #tpu.memory_space<vmem>>[vector<16xi32>], vector<16xf32>,
      %parallel_loop3A_107 = arith.index_cast %parallel_loop3A_95 : i32 to index
      %parallel_loop3A_108 = arith.constant 16 : index
      %parallel_loop3A_109 = tpu.vector_load %arg9[%parallel_loop3A_107, %parallel_loop3A_108] {strides = array<i32>} : memref<40x128xf32, #tpu.memory_space<vmem>>, vector<16xf32>,
      tpu.vector_store %arg9[%parallel_loop3A_107, %parallel_loop3A_108], %parallel_loop3A_106 {strides = array<i32>} : memref<40x128xf32, #tpu.memory_space<vmem>>, vector<16xf32>,
      %parallel_loop3A_110 = arith.index_cast %parallel_loop3A_95 : i32 to index
      %parallel_loop3A_111 = arith.constant 32 : index
      %parallel_loop3A_112 = tpu.vector_load %arg7[%parallel_loop3A_110, %parallel_loop3A_111] {strides = array<i32>} : memref<40x128xi32, #tpu.memory_space<vmem>>, vector<16xi32>,
      %parallel_loop3A_113 = tpu.vector_load_idx %arg5[%parallel_loop3A_112] : memref<102400xf32, #tpu.memory_space<vmem>>[vector<16xi32>], vector<16xf32>,
      %parallel_loop3A_114 = arith.index_cast %parallel_loop3A_95 : i32 to index
      %parallel_loop3A_115 = arith.constant 32 : index
      %parallel_loop3A_116 = tpu.vector_load %arg9[%parallel_loop3A_114, %parallel_loop3A_115] {strides = array<i32>} : memref<40x128xf32, #tpu.memory_space<vmem>>, vector<16xf32>,
      tpu.vector_store %arg9[%parallel_loop3A_114, %parallel_loop3A_115], %parallel_loop3A_113 {strides = array<i32>} : memref<40x128xf32, #tpu.memory_space<vmem>>, vector<16xf32>,
      %parallel_loop3A_117 = arith.index_cast %parallel_loop3A_95 : i32 to index
      %parallel_loop3A_118 = arith.constant 48 : index
      %parallel_loop3A_119 = tpu.vector_load %arg7[%parallel_loop3A_117, %parallel_loop3A_118] {strides = array<i32>} : memref<40x128xi32, #tpu.memory_space<vmem>>, vector<16xi32>,
      %parallel_loop3A_120 = tpu.vector_load_idx %arg5[%parallel_loop3A_119] : memref<102400xf32, #tpu.memory_space<vmem>>[vector<16xi32>], vector<16xf32>,
      %parallel_loop3A_121 = arith.index_cast %parallel_loop3A_95 : i32 to index
      %parallel_loop3A_122 = arith.constant 48 : index
      %parallel_loop3A_123 = tpu.vector_load %arg9[%parallel_loop3A_121, %parallel_loop3A_122] {strides = array<i32>} : memref<40x128xf32, #tpu.memory_space<vmem>>, vector<16xf32>,
      tpu.vector_store %arg9[%parallel_loop3A_121, %parallel_loop3A_122], %parallel_loop3A_120 {strides = array<i32>} : memref<40x128xf32, #tpu.memory_space<vmem>>, vector<16xf32>,
      %parallel_loop3A_124 = arith.index_cast %parallel_loop3A_95 : i32 to index
      %parallel_loop3A_125 = arith.constant 64 : index
      %parallel_loop3A_126 = tpu.vector_load %arg7[%parallel_loop3A_124, %parallel_loop3A_125] {strides = array<i32>} : memref<40x128xi32, #tpu.memory_space<vmem>>, vector<16xi32>,
      %parallel_loop3A_127 = tpu.vector_load_idx %arg5[%parallel_loop3A_126] : memref<102400xf32, #tpu.memory_space<vmem>>[vector<16xi32>], vector<16xf32>,
      %parallel_loop3A_128 = arith.index_cast %parallel_loop3A_95 : i32 to index
      %parallel_loop3A_129 = arith.constant 64 : index
      %parallel_loop3A_130 = tpu.vector_load %arg9[%parallel_loop3A_128, %parallel_loop3A_129] {strides = array<i32>} : memref<40x128xf32, #tpu.memory_space<vmem>>, vector<16xf32>,
      tpu.vector_store %arg9[%parallel_loop3A_128, %parallel_loop3A_129], %parallel_loop3A_127 {strides = array<i32>} : memref<40x128xf32, #tpu.memory_space<vmem>>, vector<16xf32>,
      %parallel_loop3A_131 = arith.index_cast %parallel_loop3A_95 : i32 to index
      %parallel_loop3A_132 = arith.constant 80 : index
      %parallel_loop3A_133 = tpu.vector_load %arg7[%parallel_loop3A_131, %parallel_loop3A_132] {strides = array<i32>} : memref<40x128xi32, #tpu.memory_space<vmem>>, vector<16xi32>,
      %parallel_loop3A_134 = tpu.vector_load_idx %arg5[%parallel_loop3A_133] : memref<102400xf32, #tpu.memory_space<vmem>>[vector<16xi32>], vector<16xf32>,
      %parallel_loop3A_135 = arith.index_cast %parallel_loop3A_95 : i32 to index
      %parallel_loop3A_136 = arith.constant 80 : index
      %parallel_loop3A_137 = tpu.vector_load %arg9[%parallel_loop3A_135, %parallel_loop3A_136] {strides = array<i32>} : memref<40x128xf32, #tpu.memory_space<vmem>>, vector<16xf32>,
      tpu.vector_store %arg9[%parallel_loop3A_135, %parallel_loop3A_136], %parallel_loop3A_134 {strides = array<i32>} : memref<40x128xf32, #tpu.memory_space<vmem>>, vector<16xf32>,
      %parallel_loop3A_138 = arith.index_cast %parallel_loop3A_95 : i32 to index
      %parallel_loop3A_139 = arith.constant 96 : index
      %parallel_loop3A_140 = tpu.vector_load %arg7[%parallel_loop3A_138, %parallel_loop3A_139] {strides = array<i32>} : memref<40x128xi32, #tpu.memory_space<vmem>>, vector<16xi32>,
      %parallel_loop3A_141 = tpu.vector_load_idx %arg5[%parallel_loop3A_140] : memref<102400xf32, #tpu.memory_space<vmem>>[vector<16xi32>], vector<16xf32>,
      %parallel_loop3A_142 = arith.index_cast %parallel_loop3A_95 : i32 to index
      %parallel_loop3A_143 = arith.constant 96 : index
      %parallel_loop3A_144 = tpu.vector_load %arg9[%parallel_loop3A_142, %parallel_loop3A_143] {strides = array<i32>} : memref<40x128xf32, #tpu.memory_space<vmem>>, vector<16xf32>,
      tpu.vector_store %arg9[%parallel_loop3A_142, %parallel_loop3A_143], %parallel_loop3A_141 {strides = array<i32>} : memref<40x128xf32, #tpu.memory_space<vmem>>, vector<16xf32>,
      %parallel_loop3A_145 = arith.index_cast %parallel_loop3A_95 : i32 to index
      %parallel_loop3A_146 = arith.constant 112 : index
      %parallel_loop3A_147 = tpu.vector_load %arg7[%parallel_loop3A_145, %parallel_loop3A_146] {strides = array<i32>} : memref<40x128xi32, #tpu.memory_space<vmem>>, vector<16xi32>,
      %parallel_loop3A_148 = tpu.vector_load_idx %arg5[%parallel_loop3A_147] : memref<102400xf32, #tpu.memory_space<vmem>>[vector<16xi32>], vector<16xf32>,
      %parallel_loop3A_149 = arith.index_cast %parallel_loop3A_95 : i32 to index
      %parallel_loop3A_150 = arith.constant 112 : index
      %parallel_loop3A_151 = tpu.vector_load %arg9[%parallel_loop3A_149, %parallel_loop3A_150] {strides = array<i32>} : memref<40x128xf32, #tpu.memory_space<vmem>>, vector<16xf32>,
      tpu.vector_store %arg9[%parallel_loop3A_149, %parallel_loop3A_150], %parallel_loop3A_148 {strides = array<i32>} : memref<40x128xf32, #tpu.memory_space<vmem>>, vector<16xf32>,
    } {sc.loop_unroll_factor = 2 : i64, sc.parallel_access}
    %dma_start3A_68 = arith.constant 120 : i32
    %dma_start3A_69 = tpu.memref_slice %arg4[%dma_start3A_68, %mul3A_2] : memref<200x4096xf32, #tpu.memory_space<hbm>> -> memref<40x128xf32, #tpu.memory_space<hbm>>
    %dma_start3A_70 = arith.constant 120 : i32
    %dma_start3A_71 = tpu.memref_slice %arg4[%dma_start3A_70, %mul3A_2] : memref<200x4096xf32, #tpu.memory_space<hbm>> -> memref<40x128xf32, #tpu.memory_space<hbm>>
    tpu.enqueue_dma source(%arg9 : memref<40x128xf32, #tpu.memory_space<vmem>>) target(%dma_start3A_71 : memref<40x128xf32, #tpu.memory_space<hbm>>) target_semaphore(%arg14 : memref<!tpu.dma_semaphore, #tpu.memory_space<semaphore_mem>>)
    %dma_wait3A_72 = arith.constant 160 : i32
    %dma_wait3A_73 = tpu.memref_slice %arg3[%dma_wait3A_72, %mul3A_2] : memref<200x4096xi32, #tpu.memory_space<hbm>> -> memref<40x128xi32, #tpu.memory_space<hbm>>
    %dma_wait3A_74 = arith.constant 160 : i32
    %dma_wait3A_75 = tpu.memref_slice %arg3[%dma_wait3A_74, %mul3A_2] : memref<200x4096xi32, #tpu.memory_space<hbm>> -> memref<40x128xi32, #tpu.memory_space<hbm>>
    tpu.wait_dma2 semaphore(%arg11 : memref<!tpu.dma_semaphore, #tpu.memory_space<semaphore_mem>>) src(%dma_wait3A_75 : memref<40x128xi32, #tpu.memory_space<hbm>>) dst(%arg6 : memref<40x128xi32, #tpu.memory_space<vmem>>)
    %dma_wait3A_76 = arith.constant 80 : i32
    %dma_wait3A_77 = tpu.memref_slice %arg4[%dma_wait3A_76, %mul3A_2] : memref<200x4096xf32, #tpu.memory_space<hbm>> -> memref<40x128xf32, #tpu.memory_space<hbm>>
    %dma_wait3A_78 = arith.constant 80 : i32
    %dma_wait3A_79 = tpu.memref_slice %arg4[%dma_wait3A_78, %mul3A_2] : memref<200x4096xf32, #tpu.memory_space<hbm>> -> memref<40x128xf32, #tpu.memory_space<hbm>>
    tpu.wait_dma2 semaphore(%arg13 : memref<!tpu.dma_semaphore, #tpu.memory_space<semaphore_mem>>) src(%arg8 : memref<40x128xf32, #tpu.memory_space<vmem>>) dst(%dma_wait3A_79 : memref<40x128xf32, #tpu.memory_space<hbm>>)
    %parallel_loop3A_80 = arith.constant 0 : i32
    %parallel_loop3A_81 = arith.constant 40 : i32
    %parallel_loop3A_82 = arith.constant 1 : i32
    scf.for %parallel_loop3A_95 = %parallel_loop3A_80 to %parallel_loop3A_81 step %parallel_loop3A_82  : i32 {
      %parallel_loop3A_96 = arith.index_cast %parallel_loop3A_95 : i32 to index
      %parallel_loop3A_97 = arith.constant 0 : index
      %parallel_loop3A_98 = tpu.vector_load %arg6[%parallel_loop3A_96, %parallel_loop3A_97] {strides = array<i32>} : memref<40x128xi32, #tpu.memory_space<vmem>>, vector<16xi32>,
      %parallel_loop3A_99 = tpu.vector_load_idx %arg5[%parallel_loop3A_98] : memref<102400xf32, #tpu.memory_space<vmem>>[vector<16xi32>], vector<16xf32>,
      %parallel_loop3A_100 = arith.index_cast %parallel_loop3A_95 : i32 to index
      %parallel_loop3A_101 = arith.constant 0 : index
      %parallel_loop3A_102 = tpu.vector_load %arg8[%parallel_loop3A_100, %parallel_loop3A_101] {strides = array<i32>} : memref<40x128xf32, #tpu.memory_space<vmem>>, vector<16xf32>,
      tpu.vector_store %arg8[%parallel_loop3A_100, %parallel_loop3A_101], %parallel_loop3A_99 {strides = array<i32>} : memref<40x128xf32, #tpu.memory_space<vmem>>, vector<16xf32>,
      %parallel_loop3A_103 = arith.index_cast %parallel_loop3A_95 : i32 to index
      %parallel_loop3A_104 = arith.constant 16 : index
      %parallel_loop3A_105 = tpu.vector_load %arg6[%parallel_loop3A_103, %parallel_loop3A_104] {strides = array<i32>} : memref<40x128xi32, #tpu.memory_space<vmem>>, vector<16xi32>,
      %parallel_loop3A_106 = tpu.vector_load_idx %arg5[%parallel_loop3A_105] : memref<102400xf32, #tpu.memory_space<vmem>>[vector<16xi32>], vector<16xf32>,
      %parallel_loop3A_107 = arith.index_cast %parallel_loop3A_95 : i32 to index
      %parallel_loop3A_108 = arith.constant 16 : index
      %parallel_loop3A_109 = tpu.vector_load %arg8[%parallel_loop3A_107, %parallel_loop3A_108] {strides = array<i32>} : memref<40x128xf32, #tpu.memory_space<vmem>>, vector<16xf32>,
      tpu.vector_store %arg8[%parallel_loop3A_107, %parallel_loop3A_108], %parallel_loop3A_106 {strides = array<i32>} : memref<40x128xf32, #tpu.memory_space<vmem>>, vector<16xf32>,
      %parallel_loop3A_110 = arith.index_cast %parallel_loop3A_95 : i32 to index
      %parallel_loop3A_111 = arith.constant 32 : index
      %parallel_loop3A_112 = tpu.vector_load %arg6[%parallel_loop3A_110, %parallel_loop3A_111] {strides = array<i32>} : memref<40x128xi32, #tpu.memory_space<vmem>>, vector<16xi32>,
      %parallel_loop3A_113 = tpu.vector_load_idx %arg5[%parallel_loop3A_112] : memref<102400xf32, #tpu.memory_space<vmem>>[vector<16xi32>], vector<16xf32>,
      %parallel_loop3A_114 = arith.index_cast %parallel_loop3A_95 : i32 to index
      %parallel_loop3A_115 = arith.constant 32 : index
      %parallel_loop3A_116 = tpu.vector_load %arg8[%parallel_loop3A_114, %parallel_loop3A_115] {strides = array<i32>} : memref<40x128xf32, #tpu.memory_space<vmem>>, vector<16xf32>,
      tpu.vector_store %arg8[%parallel_loop3A_114, %parallel_loop3A_115], %parallel_loop3A_113 {strides = array<i32>} : memref<40x128xf32, #tpu.memory_space<vmem>>, vector<16xf32>,
      %parallel_loop3A_117 = arith.index_cast %parallel_loop3A_95 : i32 to index
      %parallel_loop3A_118 = arith.constant 48 : index
      %parallel_loop3A_119 = tpu.vector_load %arg6[%parallel_loop3A_117, %parallel_loop3A_118] {strides = array<i32>} : memref<40x128xi32, #tpu.memory_space<vmem>>, vector<16xi32>,
      %parallel_loop3A_120 = tpu.vector_load_idx %arg5[%parallel_loop3A_119] : memref<102400xf32, #tpu.memory_space<vmem>>[vector<16xi32>], vector<16xf32>,
      %parallel_loop3A_121 = arith.index_cast %parallel_loop3A_95 : i32 to index
      %parallel_loop3A_122 = arith.constant 48 : index
      %parallel_loop3A_123 = tpu.vector_load %arg8[%parallel_loop3A_121, %parallel_loop3A_122] {strides = array<i32>} : memref<40x128xf32, #tpu.memory_space<vmem>>, vector<16xf32>,
      tpu.vector_store %arg8[%parallel_loop3A_121, %parallel_loop3A_122], %parallel_loop3A_120 {strides = array<i32>} : memref<40x128xf32, #tpu.memory_space<vmem>>, vector<16xf32>,
      %parallel_loop3A_124 = arith.index_cast %parallel_loop3A_95 : i32 to index
      %parallel_loop3A_125 = arith.constant 64 : index
      %parallel_loop3A_126 = tpu.vector_load %arg6[%parallel_loop3A_124, %parallel_loop3A_125] {strides = array<i32>} : memref<40x128xi32, #tpu.memory_space<vmem>>, vector<16xi32>,
      %parallel_loop3A_127 = tpu.vector_load_idx %arg5[%parallel_loop3A_126] : memref<102400xf32, #tpu.memory_space<vmem>>[vector<16xi32>], vector<16xf32>,
      %parallel_loop3A_128 = arith.index_cast %parallel_loop3A_95 : i32 to index
      %parallel_loop3A_129 = arith.constant 64 : index
      %parallel_loop3A_130 = tpu.vector_load %arg8[%parallel_loop3A_128, %parallel_loop3A_129] {strides = array<i32>} : memref<40x128xf32, #tpu.memory_space<vmem>>, vector<16xf32>,
      tpu.vector_store %arg8[%parallel_loop3A_128, %parallel_loop3A_129], %parallel_loop3A_127 {strides = array<i32>} : memref<40x128xf32, #tpu.memory_space<vmem>>, vector<16xf32>,
      %parallel_loop3A_131 = arith.index_cast %parallel_loop3A_95 : i32 to index
      %parallel_loop3A_132 = arith.constant 80 : index
      %parallel_loop3A_133 = tpu.vector_load %arg6[%parallel_loop3A_131, %parallel_loop3A_132] {strides = array<i32>} : memref<40x128xi32, #tpu.memory_space<vmem>>, vector<16xi32>,
      %parallel_loop3A_134 = tpu.vector_load_idx %arg5[%parallel_loop3A_133] : memref<102400xf32, #tpu.memory_space<vmem>>[vector<16xi32>], vector<16xf32>,
      %parallel_loop3A_135 = arith.index_cast %parallel_loop3A_95 : i32 to index
      %parallel_loop3A_136 = arith.constant 80 : index
      %parallel_loop3A_137 = tpu.vector_load %arg8[%parallel_loop3A_135, %parallel_loop3A_136] {strides = array<i32>} : memref<40x128xf32, #tpu.memory_space<vmem>>, vector<16xf32>,
      tpu.vector_store %arg8[%parallel_loop3A_135, %parallel_loop3A_136], %parallel_loop3A_134 {strides = array<i32>} : memref<40x128xf32, #tpu.memory_space<vmem>>, vector<16xf32>,
      %parallel_loop3A_138 = arith.index_cast %parallel_loop3A_95 : i32 to index
      %parallel_loop3A_139 = arith.constant 96 : index
      %parallel_loop3A_140 = tpu.vector_load %arg6[%parallel_loop3A_138, %parallel_loop3A_139] {strides = array<i32>} : memref<40x128xi32, #tpu.memory_space<vmem>>, vector<16xi32>,
      %parallel_loop3A_141 = tpu.vector_load_idx %arg5[%parallel_loop3A_140] : memref<102400xf32, #tpu.memory_space<vmem>>[vector<16xi32>], vector<16xf32>,
      %parallel_loop3A_142 = arith.index_cast %parallel_loop3A_95 : i32 to index
      %parallel_loop3A_143 = arith.constant 96 : index
      %parallel_loop3A_144 = tpu.vector_load %arg8[%parallel_loop3A_142, %parallel_loop3A_143] {strides = array<i32>} : memref<40x128xf32, #tpu.memory_space<vmem>>, vector<16xf32>,
      tpu.vector_store %arg8[%parallel_loop3A_142, %parallel_loop3A_143], %parallel_loop3A_141 {strides = array<i32>} : memref<40x128xf32, #tpu.memory_space<vmem>>, vector<16xf32>,
      %parallel_loop3A_145 = arith.index_cast %parallel_loop3A_95 : i32 to index
      %parallel_loop3A_146 = arith.constant 112 : index
      %parallel_loop3A_147 = tpu.vector_load %arg6[%parallel_loop3A_145, %parallel_loop3A_146] {strides = array<i32>} : memref<40x128xi32, #tpu.memory_space<vmem>>, vector<16xi32>,
      %parallel_loop3A_148 = tpu.vector_load_idx %arg5[%parallel_loop3A_147] : memref<102400xf32, #tpu.memory_space<vmem>>[vector<16xi32>], vector<16xf32>,
      %parallel_loop3A_149 = arith.index_cast %parallel_loop3A_95 : i32 to index
      %parallel_loop3A_150 = arith.constant 112 : index
      %parallel_loop3A_151 = tpu.vector_load %arg8[%parallel_loop3A_149, %parallel_loop3A_150] {strides = array<i32>} : memref<40x128xf32, #tpu.memory_space<vmem>>, vector<16xf32>,
      tpu.vector_store %arg8[%parallel_loop3A_149, %parallel_loop3A_150], %parallel_loop3A_148 {strides = array<i32>} : memref<40x128xf32, #tpu.memory_space<vmem>>, vector<16xf32>,
    } {sc.loop_unroll_factor = 2 : i64, sc.parallel_access}
    %dma_start3A_83 = arith.constant 160 : i32
    %dma_start3A_84 = tpu.memref_slice %arg4[%dma_start3A_83, %mul3A_2] : memref<200x4096xf32, #tpu.memory_space<hbm>> -> memref<40x128xf32, #tpu.memory_space<hbm>>
    %dma_start3A_85 = arith.constant 160 : i32
    %dma_start3A_86 = tpu.memref_slice %arg4[%dma_start3A_85, %mul3A_2] : memref<200x4096xf32, #tpu.memory_space<hbm>> -> memref<40x128xf32, #tpu.memory_space<hbm>>
    tpu.enqueue_dma source(%arg8 : memref<40x128xf32, #tpu.memory_space<vmem>>) target(%dma_start3A_86 : memref<40x128xf32, #tpu.memory_space<hbm>>) target_semaphore(%arg13 : memref<!tpu.dma_semaphore, #tpu.memory_space<semaphore_mem>>)
    %dma_wait3A_87 = arith.constant 160 : i32
    %dma_wait3A_88 = tpu.memref_slice %arg4[%dma_wait3A_87, %mul3A_2] : memref<200x4096xf32, #tpu.memory_space<hbm>> -> memref<40x128xf32, #tpu.memory_space<hbm>>
    %dma_wait3A_89 = arith.constant 160 : i32
    %dma_wait3A_90 = tpu.memref_slice %arg4[%dma_wait3A_89, %mul3A_2] : memref<200x4096xf32, #tpu.memory_space<hbm>> -> memref<40x128xf32, #tpu.memory_space<hbm>>
    tpu.wait_dma2 semaphore(%arg13 : memref<!tpu.dma_semaphore, #tpu.memory_space<semaphore_mem>>) src(%arg8 : memref<40x128xf32, #tpu.memory_space<vmem>>) dst(%dma_wait3A_90 : memref<40x128xf32, #tpu.memory_space<hbm>>)
    %dma_wait3A_91 = arith.constant 120 : i32
    %dma_wait3A_92 = tpu.memref_slice %arg4[%dma_wait3A_91, %mul3A_2] : memref<200x4096xf32, #tpu.memory_space<hbm>> -> memref<40x128xf32, #tpu.memory_space<hbm>>
    %dma_wait3A_93 = arith.constant 120 : i32
    %dma_wait3A_94 = tpu.memref_slice %arg4[%dma_wait3A_93, %mul3A_2] : memref<200x4096xf32, #tpu.memory_space<hbm>> -> memref<40x128xf32, #tpu.memory_space<hbm>>
    tpu.wait_dma2 semaphore(%arg14 : memref<!tpu.dma_semaphore, #tpu.memory_space<semaphore_mem>>) src(%arg9 : memref<40x128xf32, #tpu.memory_space<vmem>>) dst(%dma_wait3A_94 : memref<40x128xf32, #tpu.memory_space<hbm>>)
    return
  }
}

module attributes {stable_mosaic.version = 14 : i64} {
  func.func @_scores_body(%arg0: i32, %arg1: memref<64x4096xf32, #tpu.memory_space<vmem>>, %arg2: memref<1x64xf32, #tpu.memory_space<vmem>>, %arg3: memref<1x1xf32, #tpu.memory_space<vmem>>, %arg4: memref<4096xf32, #tpu.memory_space<vmem>>) attributes {dimension_semantics = [#tpu.dimension_semantics<arbitrary>], iteration_bounds = array<i64: 25>, scalar_prefetch = 0 : i64, scratch_operands = 0 : i64, tpu.core_type = #tpu.core_type<tc>, window_params = [{transform_indices = @transform_0, window_bounds = array<i64: 64, 4096>}, {pipeline_mode = #tpu.pipeline_mode<synchronous>, transform_indices = @transform_1, window_bounds = array<i64: 1, 64>}, {pipeline_mode = #tpu.pipeline_mode<synchronous>, transform_indices = @transform_2, window_bounds = array<i64: 1, 1>}, {transform_indices = @transform_3, window_bounds = array<i64: 4096>}]} {
    %get3A = arith.constant 0 : index
    %get3A_0 = arith.constant 0 : index
    %get3A_1 = vector.load %arg2[%get3A, %get3A_0] : memref<1x64xf32, #tpu.memory_space<vmem>>, vector<1x64xf32>
    %get3A_2 = arith.constant 0 : index
    %get3A_3 = arith.constant 0 : index
    %get3A_4 = vector.load %arg1[%get3A_2, %get3A_3] : memref<64x4096xf32, #tpu.memory_space<vmem>>, vector<64x4096xf32>
    %dot_general3A = arith.constant dense<0.000000e+00> : vector<1x4096xf32>
    %dot_general3A_5 = tpu.matmul %get3A_1, %get3A_4, %dot_general3A {dimension_numbers = #tpu.dot_dimension_numbers<[1], [0], [0], [1], [0, 0, 1, 1], [], []>, transpose_lhs_hint = false} : vector<1x64xf32>, vector<64x4096xf32>, vector<1x4096xf32> -> vector<1x4096xf32>
    %get3A_6 = arith.constant 0 : index
    %get3A_7 = arith.constant 0 : index
    %get3A_8 = vector.load %arg3[%get3A_6, %get3A_7] : memref<1x1xf32, #tpu.memory_space<vmem>>, vector<1x1xf32>
    %add3A = vector.broadcast %get3A_8 : vector<1x1xf32> to vector<1x4096xf32>
    %add3A_9 = arith.addf %dot_general3A_5, %add3A : vector<1x4096xf32>
    %squeeze3A = vector.shape_cast %add3A_9 : vector<1x4096xf32> to vector<4096xf32>
    %swap3A = arith.constant 0 : index
    %swap3A_10 = vector.load %arg4[%swap3A] : memref<4096xf32, #tpu.memory_space<vmem>>, vector<4096xf32>
    tpu.vector_store %arg4[%swap3A], %squeeze3A {strides = array<i32>} : memref<4096xf32, #tpu.memory_space<vmem>>, vector<4096xf32>,
    return
  }
  func.func @transform_0(%arg0: i32) -> (i32, i32) {
    %c0_i32 = arith.constant 0 : i32
    %c0_i32_0 = arith.constant 0 : i32
    return %c0_i32, %arg0 : i32, i32
  }
  func.func @transform_1(%arg0: i32) -> (i32, i32) {
    %c0_i32 = arith.constant 0 : i32
    %c0_i32_0 = arith.constant 0 : i32
    %c0_i32_1 = arith.constant 0 : i32
    return %c0_i32, %c0_i32_0 : i32, i32
  }
  func.func @transform_2(%arg0: i32) -> (i32, i32) {
    %c0_i32 = arith.constant 0 : i32
    %c0_i32_0 = arith.constant 0 : i32
    %c0_i32_1 = arith.constant 0 : i32
    return %c0_i32, %c0_i32_0 : i32, i32
  }
  func.func @transform_3(%arg0: i32) -> i32 {
    %c0_i32 = arith.constant 0 : i32
    return %arg0 : i32
  }
}

</mosaic_0001>

<sc_bundles>
// kernel: kernel.4.cloned.1.call-start
scs
__scs_entry_jumppad:
0x0: {  	(pc) =	sbr.rel $0x88, $3  }
0x1: {  	(tag) =	ssettag $0x0;
	lr =	simm.s32 $0x1  }
0x2: {  	[smem:$0x3F9D] =	sst lr;
	_ =	strace $0xD0000000  }
0x3: {  	_ = 	snop  }
0x4: {  	_ = 	snop  }
0x5: {  	_ = 	snop  }
0x6: {  	_ = 	snop  }
0x7: {  	_ = 	snop  }
__scs_overlays_trampoline_lowered:
0x8: {  	[smem:$0x3FAC] =	sst s0  }
0x9: {  	[smem:$0x3FAD] =	sst s1  }
0xa: {  	[smem:$0x3FAE] =	sst s2  }
0xb: {  	[smem:$0x3FAF] =	sst s3  }
0xc: {  	[smem:$0x3FB0] =	sst s4  }
0xd: {  	[smem:$0x3FB1] =	sst s5  }
0xe: {  	[smem:$0x3FB2] =	sst s6  }
0xf: {  	[smem:$0x3FB3] =	sst s7  }
0x10: {  	[smem:$0x3FB4] =	sst s8  }
0x11: {  	[smem:$0x3FB5] =	sst s9;
	s0 =	simm.s32 @!p0 $0x0  }
0x12: {  	s1 =	sld [smem:$0x3F9B];
	s0 =	simm.s32 @p0 $0x1  }
0x13: {  	[smem:$0x3FB6] =	sst s0;
	s0 =	simm.s32 @!p1 $0x0  }
0x14: {  	s2 =	sld [smem:$0x3F9A];
	s0 =	simm.s32 @p1 $0x1  }
0x15: {  	[smem:$0x3FB7] =	sst s0;
	s0 =	simm.s32 @!p2 $0x0  }
0x16: {  	s3 =	sld [smem:$0x3FDB];
	s0 =	simm.s32 @p2 $0x1  }
0x17: {  	s4 =	simm.s32 $0x1BF5;
	[smem:$0x3FB9] =	sst s0  }
0x18: {  	s0 =	sld [smem:$0x3F9C];
	_ =	swait.ge [sflag:s4], $0x0  }
0x19: {  	s7 =	sld [smem:$0x3F9D]  }
0x1a: {  	s8 =	sadd.s32 $0xFFFFE003, lr  }
0x1b: {  	s9 =	sadd.s32 $0xFFFFFEF7, lr;
	s5 =	simm.s32 $0xFFFFFFFF;
	p2 =	slt.u32 s8, $0xFFFFF086  }
0x1c: {  	p1 =	slt.u32 s9, $0xF7A;
	s5 =	simm.s32 @!p2 $0x0  }
0x1d: {  	s5 =	simm.s32 @p1 $0x1;
	p0 =	seq.s32 s7, s2  }
0x1e: {  	s7 =	smul.u32 @!p0 $0xF7A, s2;
	p2 =	seq.s32 @!p0 s5, $0x0  }
0x1f: {  	s9 =	smul.u32 $0xF7A, s1;
	s8 =	simm.s32 @!p0 $0x1BF5;
	p2 =	por !p2, p0  }
0x20: {  	[sflag:s8] =	ssyncset.s32 @!p0 $0xFFFFF086;
	s6 =	sadd.s32 @!p0 s3, s7;
	s7 =	simm.s32 @!p0 $0x108  }
0x21: {  	s3 =	sadd.s32 s3, s9;
	s6 =	sadd.s32 @!p0 $0x88, s6;
	s7 =	simm.s32 @p2 $0x1082  }
0x22: {  	[simem:s7], [sflag:s8] =	dma.local @!p0 [hbm:s6], $0xF7A  }
0x23: {  	s9 =	sor.u32 $0xD0000000, s2;
	s6 =	simm.s32 $0x108;
	_ =	swait.ge @!p0 [sflag:s8], $0x0  }
0x24: {  	s3 =	sadd.s32 $0x88, s3;
	s6 =	simm.s32 @!p1 $0x1082;
	[sflag:s4] =	ssyncset.s32 $0xFFFFF086  }
0x25: {  	[simem:s6], [sflag:s4] =	dma.local [hbm:s3], $0xF7A  }
0x26: {  	[smem:$0x3F9D] =	sst s1;
	(tag) =	ssettag s2;
	_ =	strace s9  }
0x27: {  	s1 =	sld [smem:$0x3FAD]  }
0x28: {  	s2 =	sld [smem:$0x3FAE]  }
0x29: {  	s4 =	sld [smem:$0x3FB0]  }
0x2a: {  	p0 =	seq.s32 s5, $0x0;
	s5 =	sld [smem:$0x3FB1]  }
0x2b: {  	s6 =	sld [smem:$0x3FB2]  }
0x2c: {  	s7 =	sld [smem:$0x3FB3]  }
0x2d: {  	s3 =	simm.s32 $0x108;
	s8 =	sld [smem:$0x3FB4]  }
0x2e: {  	s3 =	simm.s32 @!p0 $0x1082;
	s9 =	sld [smem:$0x3FB5]  }
0x2f: {  	lr =	sadd.s32 s0, s3;
	s0 =	sld [smem:$0x3FAC]  }
0x30: {  	s3 =	sld [smem:$0x3FAF]  }
0x31: {  	[smem:$0x3FB8] =	sst s10  }
0x32: {  	s10 =	sld [smem:$0x3FB6];
	_ =	sdelay $0x3  }
0x33: {  	p0 =	seq.s32 s10, $0x1;
	s10 =	sld [smem:$0x3FB8];
	_ =	sdelay $0x3  }
0x34: {  	[smem:$0x3FB8] =	sst s10  }
0x35: {  	s10 =	sld [smem:$0x3FB7];
	_ =	sdelay $0x3  }
0x36: {  	p1 =	seq.s32 s10, $0x1;
	s10 =	sld [smem:$0x3FB8];
	_ =	sdelay $0x3  }
0x37: {  	[smem:$0x3FB8] =	sst s10  }
0x38: {  	s10 =	sld [smem:$0x3FB9]  }
0x39: {  	_ = 	snop;
	(pc) =	sbr.ind lr, $3  }
0x3a: {  	_ = 	snop  }
0x3b: {  	_ = 	snop  }
0x3c: {  	p2 =	seq.s32 s10, $0x1;
	s10 =	sld [smem:$0x3FB8]  }
0x3d: {  	_ =	shalt  }
0x3e: {  	_ =	shalt  }
0x3f: {  	_ =	shalt  }
0x40: {  	_ =	shalt  }
0x41: {  	_ =	shalt  }
0x42: {  	_ =	shalt  }
0x43: {  	_ =	shalt  }
0x44: {  	_ =	shalt  }
0x45: {  	_ =	shalt  }
0x46: {  	_ =	shalt  }
0x47: {  	_ =	shalt  }
0x48: {  	_ =	shalt  }
0x49: {  	_ =	shalt  }
0x4a: {  	_ =	shalt  }
0x4b: {  	_ =	shalt  }
0x4c: {  	_ =	shalt  }
0x4d: {  	_ =	shalt  }
0x4e: {  	_ =	shalt  }
0x4f: {  	_ =	shalt  }
0x50: {  	_ =	shalt  }
0x51: {  	_ =	shalt  }
0x52: {  	_ =	shalt  }
0x53: {  	_ =	shalt  }
0x54: {  	_ =	shalt  }
0x55: {  	_ =	shalt  }
0x56: {  	_ =	shalt  }
0x57: {  	_ =	shalt  }
0x58: {  	_ =	shalt  }
0x59: {  	_ =	shalt  }
0x5a: {  	_ =	shalt  }
0x5b: {  	_ =	shalt  }
0x5c: {  	_ =	shalt  }
0x5d: {  	_ =	shalt  }
0x5e: {  	_ =	shalt  }
0x5f: {  	_ =	shalt  }
0x60: {  	_ =	shalt  }
0x61: {  	_ =	shalt  }
0x62: {  	_ =	shalt  }
0x63: {  	_ =	shalt  }
0x64: {  	_ =	shalt  }
0x65: {  	_ =	shalt  }
0x66: {  	_ =	shalt  }
0x67: {  	_ =	shalt  }
0x68: {  	_ =	shalt  }
0x69: {  	_ =	shalt  }
0x6a: {  	_ =	shalt  }
0x6b: {  	_ =	shalt  }
0x6c: {  	_ =	shalt  }
0x6d: {  	_ =	shalt  }
0x6e: {  	_ =	shalt  }
0x6f: {  	_ =	shalt  }
0x70: {  	_ =	shalt  }
0x71: {  	_ =	shalt  }
0x72: {  	_ =	shalt  }
0x73: {  	_ =	shalt  }
0x74: {  	_ =	shalt  }
0x75: {  	_ =	shalt  }
0x76: {  	_ =	shalt  }
0x77: {  	_ =	shalt  }
0x78: {  	_ =	shalt  }
0x79: {  	_ =	shalt  }
0x7a: {  	_ =	shalt  }
0x7b: {  	_ =	shalt  }
0x7c: {  	_ =	shalt  }
0x7d: {  	_ =	shalt  }
0x7e: {  	_ =	shalt  }
0x7f: {  	_ =	shalt  }
0x80: {  	_ =	shalt  }
0x81: {  	_ =	shalt  }
0x82: {  	_ =	shalt  }
0x83: {  	_ =	shalt  }
0x84: {  	_ =	shalt  }
0x85: {  	_ =	shalt  }
0x86: {  	_ =	shalt  }
0x87: {  	_ =	shalt  }
.Lfunc_end0:
.L_simem_size_0:
called_computation_lowered:
.L_overlay_start_0:
0x88: {  	s2 =	sld [smem:$0x3FD9]  }
0x89: {  	s3 =	sld [smem:$0x3FFE];
	_ =	sdelay $0x1  }
0x8a: {  	s1 =	srdreg.scid  }
0x8b: {  	s0 =	sand.u32 $0x1, s1  }
0x8c: {  	s17 =	sshll.u32 s0, $0xA;
	s2 =	sadd.s32 s3, s2  }
0x8d: {  	s2 =	sadd.s32 s2, s17  }
0x8e: {  	[smem:$0x3FC4] =	sst s2  }
0x8f: {  	_ = 	snop  }
0x90: {  	s2 =	sld [smem:$0x3FC9]  }
0x91: {  	s18 =	sld [smem:$0x3FD0];
	(tm) =	ssettm $0x1  }
0x92: {  	s4 =	sld [smem:$0x3FFB];
	_ =	sdelay $0x3  }
0x93: {  	_ =	strace s4  }
0x94: {  	s4 =	sld [smem:$0x3FFC];
	_ =	sdelay $0x3  }
0x95: {  	_ =	strace s4  }
0x96: {  	s4 =	sld [smem:$0x3FFD];
	_ =	sdelay $0x3  }
0x97: {  	_ =	strace s4  }
0x98: {  	_ =	strace $0x8FFFFFFF  }
0x99: {  	s19 =	sld [smem:$0x3FDB];
	_ =	sdelay $0x1  }
0x9a: {  	s5 =	simm.s32 $_scs_section_size  }
0x9b: {  	s6 =	simm.s32 $_size__tile_overlayer_lowered;
	s7 =	simm.s32 $_tile_overlayer_lowered  }
0x9c: {  	s22 =	simm.s32 $0x1BFF;
	s21 =	sshll.u32 s7, $0x1;
	s4 =	sadd.s32 s5, s19  }
0x9d: {  	s8 =	simm.s32 $0x0;
	s20 =	sshll.u32 s6, $0x1;
	s6 =	sadd.s32 s21, s4  }
0x9e: {  	[timem:s8], [sflag:s22] =	dma.local [hbm:s6], s20  }
0x9f: {  	_ =	swait.ge [sflag:s22], s20  }
0xa0: {  	s5 =	ssub.s32 $0x0, s20;
	[sflag:s22] =	ssyncset.done $0x0  }
0xa1: {  	[sflag:s22] =	ssyncadd.s32 s5;
	_ =	sdelay $0x1  }
0xa2: {  	s23 =	simm.s32 $0x1B8B  }
0xa3: {  	_ =	swait.ge [sflag:s23], $0x1  }
0xa4: {  	[sflag:s23] =	ssyncset.done $0x0  }
0xa5: {  	s25 =	simm.s32 $0x1B8E;
	s24 =	sld [smem:$0x3FFE];
	[sflag:s23] =	ssyncadd.s32 $0xFFFFFFFF  }
0xa6: {  	s26 =	simm.s32 $execute0_lowered;
	[smem:$0x3FD2] =	sst s25  }
0xa7: {  	s6 =	sshll.u32 s26, $0x1;
	_ =	strace $0x80000046;
	[dreg:$0x1] =	wrdreg $0xFFFFFFFF  }
0xa8: {  	s28 =	simm.s32 $_size_execute0_lowered;
	s4 =	sadd.s32 s4, s6;
	[dreg:$0x0] =	wrdreg $0x0  }
0xa9: {  	s6 =	sshll.u32 s28, $0x1;
	[dreg:$0x2] =	wrdreg s4  }
0xaa: {  	[dreg:$0x3] =	wrdreg s6  }
0xab: {  	[dreg:$0x4] =	wrdreg $0xC0  }
0xac: {  	_ =	task [dreg:s8], $0x5FFFF  }
0xad: {  	[dreg:$0x1] =	wrdreg $0xFFFFFFFF  }
0xae: {  	[dreg:$0x0] =	wrdreg $0x60  }
0xaf: {  	[dreg:$0x2] =	wrdreg s18  }
0xb0: {  	[dreg:$0x3] =	wrdreg s2  }
0xb1: {  	[dreg:$0x4] =	wrdreg s24  }
0xb2: {  	[dreg:$0x5] =	wrdreg $0x9  }
0xb3: {  	_ =	task.clear_ibuf [dreg:s8], $0x6FFFF;
	_ =	strace $0x90000046  }
0xb4: {  	s29 =	simm.s32 $0x9;
	_ =	strace $0x80000048  }
0xb5: {  	_ =	swait.ge [sflag:s29], $0x1  }
0xb6: {  	[sflag:s29] =	ssyncadd.s32 $0xFFFFFFFF  }
0xb7: {  	_ =	strace $0x90000048  }
0xb8: {  	_ =	sfence  }
0xb9: {  	s30 =	sld [smem:$0x0];
	_ =	sdelay $0x2  }
0xba: {  	s31 =	sshll.u32 s1, $0xD;
	s1 =	sshrl.u32 s1, $0x2  }
0xbb: {  	s3 =	sand.u32 $0x4000, s31;
	s1 =	sadd.s32 s1, s30  }
0xbc: {  	s0 =	sor.u32 s3, s0;
	s1 =	sshll.u32 s1, $0x11  }
0xbd: {  	s0 =	sor.u32 s1, s0  }
0xbe: {  	s0 =	sadd.s32 $0x8F2B, s0  }
0xbf: {  	[sflag:s0] =	ssyncadd.remote.s32 $0x1  }
0xc0: {  	_ =	sfence.sel $0xFFFF  }
0xc1: {  	[dreg:$0x0] =	wrdreg $0xFFFFFFFF;
	(pc) =	sbr.abs _section_cstart, $3  }
0xc2: {  	[dreg:$0x1] =	wrdreg $0xFFFFFFFF  }
0xc3: {  	_ =	task.clear_ibuf [dreg:s8], $0x2FFFF;
	_ =	strace $0x9FFFFFFF  }
0xc4: {  	(tm) =	ssettm $0x7FFFFFFF  }
0xc5: {  	_ =	shalt  }
tec
execute0_lowered:
.L_overlay_start_1:
0x0: {  	(tag) =	ssettag $0x1  }
0x1: {  	s0 =	rddreg [dreg:$0x1]  }
0x2: {  	s1 =	rddreg [dreg:$0x2]  }
0x3: {  	s2 =	simm.s32 $0x0;
	s3 =	srdreg.scid;
	s6 =	stileid.u32  }
0x4: {  	s15 =	simm.s32 $0x400;
	s16 =	simm.s32 $0x8000;
	s17 =	simm.s32 $0x19000  }
0x5: {  	s19 =	simm.s32 $0x1;
	s20 =	simm.s32 $0x2;
	s21 =	simm.s32 $0x1B800  }
0x6: {  	s22 =	simm.s32 $0x3;
	s24 =	simm.s32 $0x4;
	s25 =	simm.s32 $0x5  }
0x7: {  	s26 =	simm.s32 $0x0;
	[smem:$0x7FF] =	sst s2;
	s3 =	sand.u32 $0x1, s3  }
0x8: {  	s6 =	sshll.u32 s6, $0x8;
	s4 =	ssub.s32 $0x2, s3;
	s3 =	sshll.u32 s3, $0x7  }
0x9: {  	s1 =	sadd.s32 $0x800, s1;
	s5 =	sshrl.u32 s4, $0x1;
	s3 =	sor.u32 s3, s6  }
0xa: {  	_ =	strace $0x80000047;
	s4 =	ssub.s32 s4, s5;
	s31 =	sadd.s32 s0, s3  }
0xb: {  	s8 =	sor.u32 $0x5000, s3;
	s10 =	sor.u32 $0xA000, s3;
	s6 =	sadd.s32 s1, s3  }
0xc: {  	s12 =	sor.u32 $0xF000, s3;
	s3 =	sor.u32 $0x14000, s3;
	[dreg:$0x4] =	wrdreg s31  }
0xd: {  	s5 =	sadd.s32 s0, s8;
	s7 =	sadd.s32 s0, s10;
	s8 =	sadd.s32 s1, s8  }
0xe: {  	s9 =	sadd.s32 s0, s12;
	s10 =	sadd.s32 s1, s10;
	s11 =	sadd.s32 s0, s3  }
0xf: {  	s12 =	sadd.s32 s1, s12;
	s13 =	sadd.s32 s1, s3;
	s14 =	smax.u32 s4, $0x1  }
.LBB2_1:
0x10: {  	s0 =	rddreg [dreg:$0x0]  }
0x11: {  	[tilespmem:s2], [sflag:$0x1] =	stream.linear.gather [hbm4b:s0+s2], $0x19000, $0x38;
	[tilespmem:$0x1E000] =	vst v63  }
0x12: {  	s18 =	rddreg [dreg:$0x4]  }
0x13: {  	[tilespmem:s17], [sflag:$0x2] =	stream.strided.gather [hbm4b:s18+s15], $0x1400, s16, s15, $0x38;
	[tilespmem:$0x1E000] =	vst v63  }
0x14: {  	s23 =	simm.s32 $0x1A400  }
0x15: {  	[tilespmem:s23], [sflag:$0x3] =	stream.strided.gather [hbm4b:s5+s15], $0x1400, s16, s15, $0x38;
	[tilespmem:$0x1E000] =	vst v63  }
0x16: {  	_ =	swait.ge [sflag:s19], $0x19000  }
0x17: {  	[sflag:s19] =	ssyncset.done $0x0  }
0x18: {  	[sflag:s19] =	ssyncadd.s32 $0xFFFE7000  }
0x19: {  	_ =	swait.ge [sflag:s20], $0x1400  }
0x1a: {  	[sflag:s20] =	ssyncset.done $0x0  }
0x1b: {  	s18 =	simm.s32 $0x19080;
	[sflag:s20] =	ssyncadd.s32 $0xFFFFEC00  }
0x1c: {  	v0 =	vld [tilespmem:s18+$0x0];
	_ =	sdelay $0x1  }
0x1d: {  	v1 =	vld [tilespmem:s18+$0xFFFFFF80];
	_ =	sdelay $0x5  }
0x1e: {  	v0 =	vld.idx.msk [tilespmem:v0+s2+$0x0], $0xffff;
	_ =	sdelay $0x1  }
0x1f: {  	v1 =	vld.idx.msk [tilespmem:v1+s2+$0x0], $0xffff;
	_ =	sdelay $0x1  }
0x20: {  	s28 =	simm.s32 $0x1B880  }
0x21: {  	[tilespmem:s28+$0x0] =	vst v0  }
0x22: {  	v0 =	vld [tilespmem:s18+$0x10]  }
0x23: {  	[tilespmem:s28+$0xFFFFFF80] =	vst v1  }
0x24: {  	v1 =	vld [tilespmem:s18+$0xFFFFFF90];
	_ =	sdelay $0x3  }
0x25: {  	s30 =	simm.s32 $0x19180  }
0x26: {  	v2 =	vld [tilespmem:s30+$0x0]  }
0x27: {  	v0 =	vld.idx.msk [tilespmem:v0+s2+$0x0], $0xffff;
	_ =	sdelay $0x1  }
0x28: {  	v1 =	vld.idx.msk [tilespmem:v1+s2+$0x0], $0xffff;
	_ =	sdelay $0x2  }
0x29: {  	[tilespmem:s28+$0x10] =	vst v0  }
0x2a: {  	v0 =	vld [tilespmem:s18+$0x20]  }
0x2b: {  	[tilespmem:s28+$0xFFFFFF90] =	vst v1;
	v1 =	vld.idx.msk [tilespmem:v2+s2+$0x0], $0xffff  }
0x2c: {  	v3 =	vld [tilespmem:s30+$0xFFFFFF80];
	_ =	sdelay $0x1  }
0x2d: {  	v2 =	vld [tilespmem:s18+$0xFFFFFFA0]  }
0x2e: {  	s29 =	simm.s32 $0x1B980  }
0x2f: {  	[tilespmem:s29+$0x0] =	vst v1  }
0x30: {  	v1 =	vld [tilespmem:s30+$0x10]  }
0x31: {  	v0 =	vld.idx.msk [tilespmem:v0+s2+$0x0], $0xffff;
	_ =	sdelay $0x1  }
0x32: {  	v3 =	vld.idx.msk [tilespmem:v3+s2+$0x0], $0xffff;
	_ =	sdelay $0x1  }
0x33: {  	v2 =	vld.idx.msk [tilespmem:v2+s2+$0x0], $0xffff  }
0x34: {  	[tilespmem:s28+$0x20] =	vst v0  }
0x35: {  	v0 =	vld [tilespmem:s18+$0x30]  }
0x36: {  	[tilespmem:s29+$0xFFFFFF80] =	vst v3;
	v1 =	vld.idx.msk [tilespmem:v1+s2+$0x0], $0xffff  }
0x37: {  	v3 =	vld [tilespmem:s30+$0xFFFFFF90]  }
0x38: {  	[tilespmem:s28+$0xFFFFFFA0] =	vst v2  }
0x39: {  	v2 =	vld [tilespmem:s18+$0xFFFFFFB0];
	_ =	sdelay $0x1  }
0x3a: {  	[tilespmem:s29+$0x10] =	vst v1  }
0x3b: {  	v1 =	vld [tilespmem:s30+$0x20]  }
0x3c: {  	s31 =	simm.s32 $0x19280;
	v0 =	vld.idx.msk [tilespmem:v0+s2+$0x0], $0xffff  }
0x3d: {  	v4 =	vld [tilespmem:s31+$0x0]  }
0x3e: {  	v3 =	vld.idx.msk [tilespmem:v3+s2+$0x0], $0xffff  }
0x3f: {  	v5 =	vld [tilespmem:s31+$0xFFFFFF80]  }
0x40: {  	v2 =	vld.idx.msk [tilespmem:v2+s2+$0x0], $0xffff  }
0x41: {  	[tilespmem:s28+$0x30] =	vst v0  }
0x42: {  	v0 =	vld [tilespmem:s18+$0x40]  }
0x43: {  	[tilespmem:s29+$0xFFFFFF90] =	vst v3;
	v1 =	vld.idx.msk [tilespmem:v1+s2+$0x0], $0xffff  }
0x44: {  	v3 =	vld [tilespmem:s30+$0xFFFFFFA0]  }
0x45: {  	v4 =	vld.idx.msk [tilespmem:v4+s2+$0x0], $0xffff;
	[tilespmem:s28+$0xFFFFFFB0] =	vst v2  }
0x46: {  	v2 =	vld [tilespmem:s18+$0xFFFFFFC0]  }
0x47: {  	s3 =	simm.s32 $0x19380;
	v5 =	vld.idx.msk [tilespmem:v5+s2+$0x0], $0xffff  }
0x48: {  	v6 =	vld [tilespmem:s3+$0x0];
	[tilespmem:s29+$0x20] =	vst v1  }
0x49: {  	s0 =	simm.s32 $0x1BA80;
	v1 =	vld [tilespmem:s30+$0x30]  }
0x4a: {  	[tilespmem:s0+$0x0] =	vst v4;
	v0 =	vld.idx.msk [tilespmem:v0+s2+$0x0], $0xffff  }
0x4b: {  	v4 =	vld [tilespmem:s31+$0x10]  }
0x4c: {  	[tilespmem:s0+$0xFFFFFF80] =	vst v5;
	v3 =	vld.idx.msk [tilespmem:v3+s2+$0x0], $0xffff  }
0x4d: {  	v5 =	vld [tilespmem:s31+$0xFFFFFF90]  }
0x4e: {  	v2 =	vld.idx.msk [tilespmem:v2+s2+$0x0], $0xffff  }
0x4f: {  	v7 =	vld [tilespmem:s3+$0xFFFFFF80];
	[tilespmem:s28+$0x40] =	vst v0  }
0x50: {  	v0 =	vld [tilespmem:s18+$0x50]  }
0x51: {  	[tilespmem:s29+$0xFFFFFFA0] =	vst v3;
	v1 =	vld.idx.msk [tilespmem:v1+s2+$0x0], $0xffff  }
0x52: {  	v3 =	vld [tilespmem:s30+$0xFFFFFFB0]  }
0x53: {  	v4 =	vld.idx.msk [tilespmem:v4+s2+$0x0], $0xffff;
	[tilespmem:s28+$0xFFFFFFC0] =	vst v2  }
0x54: {  	v2 =	vld [tilespmem:s18+$0xFFFFFFD0]  }
0x55: {  	v5 =	vld.idx.msk [tilespmem:v5+s2+$0x0], $0xffff  }
0x56: {  	v6 =	vld.idx.msk [tilespmem:v6+s2+$0x0], $0xffff;
	[tilespmem:s29+$0x30] =	vst v1  }
0x57: {  	v1 =	vld [tilespmem:s30+$0x40]  }
0x58: {  	[tilespmem:s0+$0x10] =	vst v4;
	v0 =	vld.idx.msk [tilespmem:v0+s2+$0x0], $0xffff  }
0x59: {  	v4 =	vld [tilespmem:s31+$0x20]  }
0x5a: {  	[tilespmem:s0+$0xFFFFFF90] =	vst v5;
	v3 =	vld.idx.msk [tilespmem:v3+s2+$0x0], $0xffff  }
0x5b: {  	v5 =	vld [tilespmem:s31+$0xFFFFFFA0]  }
0x5c: {  	v2 =	vld.idx.msk [tilespmem:v2+s2+$0x0], $0xffff  }
0x5d: {  	v7 =	vld.idx.msk [tilespmem:v7+s2+$0x0], $0xffff;
	[tilespmem:s28+$0x50] =	vst v0  }
0x5e: {  	v0 =	vld [tilespmem:s18+$0x60]  }
0x5f: {  	s1 =	simm.s32 $0x1BB80;
	[tilespmem:s29+$0xFFFFFFB0] =	vst v3;
	v1 =	vld.idx.msk [tilespmem:v1+s2+$0x0], $0xffff  }
0x60: {  	[tilespmem:s1+$0x0] =	vst v6;
	v3 =	vld [tilespmem:s30+$0xFFFFFFC0]  }
0x61: {  	[tilespmem:s28+$0xFFFFFFD0] =	vst v2;
	v2 =	vld.idx.msk [tilespmem:v4+s2+$0x0], $0xffff  }
0x62: {  	v6 =	vld [tilespmem:s3+$0x10]  }
0x63: {  	v4 =	vld [tilespmem:s18+$0xFFFFFFE0]  }
0x64: {  	v5 =	vld.idx.msk [tilespmem:v5+s2+$0x0], $0xffff;
	[tilespmem:s29+$0x40] =	vst v1  }
0x65: {  	v1 =	vld [tilespmem:s30+$0x50]  }
0x66: {  	[tilespmem:s0+$0x20] =	vst v2;
	v0 =	vld.idx.msk [tilespmem:v0+s2+$0x0], $0xffff  }
0x67: {  	v2 =	vld [tilespmem:s31+$0x30]  }
0x68: {  	[tilespmem:s1+$0xFFFFFF80] =	vst v7;
	v3 =	vld.idx.msk [tilespmem:v3+s2+$0x0], $0xffff  }
0x69: {  	v8 =	vld [tilespmem:s3+$0xFFFFFF90];
	[tilespmem:s0+$0xFFFFFFA0] =	vst v5  }
0x6a: {  	v9 =	vld [tilespmem:s31+$0xFFFFFFB0]  }
0x6b: {  	v4 =	vld.idx.msk [tilespmem:v4+s2+$0x0], $0xffff;
	[tilespmem:s28+$0x60] =	vst v0  }
0x6c: {  	v0 =	vld [tilespmem:s18+$0x70]  }
0x6d: {  	[tilespmem:s29+$0xFFFFFFC0] =	vst v3;
	v1 =	vld.idx.msk [tilespmem:v1+s2+$0x0], $0xffff  }
0x6e: {  	v10 =	vld [tilespmem:s30+$0xFFFFFFD0]  }
0x6f: {  	v2 =	vld.idx.msk [tilespmem:v2+s2+$0x0], $0xffff  }
0x70: {  	[tilespmem:s28+$0xFFFFFFE0] =	vst v4;
	v4 =	vld.idx.msk [tilespmem:v6+s2+$0x0], $0xffff;
	_ =	sdelay $0x1  }
0x71: {  	v5 =	vld.idx.msk [tilespmem:v8+s2+$0x0], $0xffff;
	[tilespmem:s29+$0x50] =	vst v1  }
0x72: {  	v1 =	vld [tilespmem:s30+$0x60]  }
0x73: {  	[tilespmem:s0+$0x30] =	vst v2;
	v7 =	vld.idx.msk [tilespmem:v0+s2+$0x0], $0xffff  }
0x74: {  	[tilespmem:s1+$0x10] =	vst v4;
	v4 =	vld.idx.msk [tilespmem:v9+s2+$0x0], $0xffff  }
0x75: {  	v3 =	vld [tilespmem:s31+$0x40]  }
0x76: {  	v2 =	vld.idx.msk [tilespmem:v10+s2+$0x0], $0xffff  }
0x77: {  	v6 =	vld [tilespmem:s3+$0x20]  }
0x78: {  	s23 =	simm.s32 $0x19480;
	v0 =	vld [tilespmem:s18+$0xFFFFFFF0];
	s18 =	simm.s32 $0x6;
	[tilespmem:s28+$0x70] =	vst v7  }
.LBB2_2:
0x79: {  	v7 =	vld [tilespmem:s23+$0x0];
	s18 =	sadd.s32 $0x2, s18;
	s4 =	smov.u32 s0;
	s0 =	smov.u32 s1  }
0x7a: {  	v8 =	vld [tilespmem:s23+$0xFFFFFF80];
	p0 =	slt.u32 s18, $0x26;
	[tilespmem:s1+$0xFFFFFF90] =	vst v5  }
0x7b: {  	v1 =	vld.idx.msk [tilespmem:v1+s2+$0x0], $0xffff  }
0x7c: {  	v5 =	vld [tilespmem:s3+$0xFFFFFFA0];
	[tilespmem:s4+$0xFFFFFFB0] =	vst v4  }
0x7d: {  	v3 =	vld.idx.msk [tilespmem:v3+s2+$0x0], $0xffff  }
0x7e: {  	v4 =	vld [tilespmem:s31+$0xFFFFFFC0];
	[tilespmem:s29+$0xFFFFFFD0] =	vst v2  }
0x7f: {  	v2 =	vld.idx.msk [tilespmem:v6+s2+$0x0], $0xffff  }
0x80: {  	v6 =	vld [tilespmem:s30+$0xFFFFFFE0]  }
0x81: {  	v7 =	vld.idx.msk [tilespmem:v7+s2+$0x0], $0xffff;
	[tilespmem:s29+$0x60] =	vst v1  }
0x82: {  	v1 =	vld [tilespmem:s30+$0x70]  }
0x83: {  	v8 =	vld.idx.msk [tilespmem:v8+s2+$0x0], $0xffff;
	[tilespmem:s4+$0x40] =	vst v3  }
0x84: {  	v3 =	vld [tilespmem:s31+$0x50]  }
0x85: {  	v5 =	vld.idx.msk [tilespmem:v5+s2+$0x0], $0xffff;
	[tilespmem:s1+$0x20] =	vst v2  }
0x86: {  	s1 =	sadd.s32 $0x100, s1;
	v2 =	vld [tilespmem:s3+$0x30]  }
0x87: {  	[tilespmem:s1+$0x0] =	vst v7;
	v4 =	vld.idx.msk [tilespmem:v4+s2+$0x0], $0xffff  }
0x88: {  	v7 =	vld [tilespmem:s23+$0x10]  }
0x89: {  	[tilespmem:s1+$0xFFFFFF80] =	vst v8;
	v6 =	vld.idx.msk [tilespmem:v6+s2+$0x0], $0xffff  }
0x8a: {  	v1 =	vld.idx.msk [tilespmem:v1+s2+$0x0], $0xffff  }
0x8b: {  	v8 =	vld [tilespmem:s23+$0xFFFFFF90];
	[tilespmem:s0+$0xFFFFFFA0] =	vst v5  }
0x8c: {  	v3 =	vld.idx.msk [tilespmem:v3+s2+$0x0], $0xffff  }
0x8d: {  	v9 =	vld [tilespmem:s3+$0xFFFFFFB0];
	[tilespmem:s4+$0xFFFFFFC0] =	vst v4  }
0x8e: {  	v2 =	vld.idx.msk [tilespmem:v2+s2+$0x0], $0xffff  }
0x8f: {  	v10 =	vld [tilespmem:s31+$0xFFFFFFD0];
	[tilespmem:s29+$0xFFFFFFE0] =	vst v6  }
0x90: {  	v4 =	vld.idx.msk [tilespmem:v7+s2+$0x0], $0xffff;
	[tilespmem:s29+$0x70] =	vst v1  }
0x91: {  	v6 =	vld [tilespmem:s30+$0xFFFFFFF0];
	s30 =	smov.u32 s31;
	s31 =	smov.u32 s3;
	s3 =	smov.u32 s23  }
0x92: {  	[tilespmem:s4+$0x50] =	vst v3;
	v7 =	vld.idx.msk [tilespmem:v0+s2+$0x0], $0xffff  }
0x93: {  	v1 =	vld [tilespmem:s30+$0x60]  }
.Ltmp0:
0x94: {  	v5 =	vld.idx.msk [tilespmem:v8+s2+$0x0], $0xffff;
	[tilespmem:s0+$0x30] =	vst v2;
	(pc) =	sbr.rel @p0 .LBB2_2-.Ltmp0, $4  }
0x95: {  	v3 =	vld [tilespmem:s31+$0x40]  }
0x96: {  	[tilespmem:s1+$0x10] =	vst v4;
	v4 =	vld.idx.msk [tilespmem:v9+s2+$0x0], $0xffff;
	v0 =	vmov v6  }
0x97: {  	v6 =	vld [tilespmem:s23+$0x20]  }
0x98: {  	s23 =	sadd.s32 $0x100, s23;
	v2 =	vld.idx.msk [tilespmem:v10+s2+$0x0], $0xffff;
	[tilespmem:s28+$0xFFFFFFF0] =	vst v7;
	s28 =	smov.u32 s29;
	s29 =	smov.u32 s4  }
0x99: {  	[tilespmem:s1+$0xFFFFFF90] =	vst v5  }
0x9a: {  	v5 =	vld [tilespmem:s3+$0xFFFFFFA0];
	_ =	sdelay $0x6  }
0x9b: {  	v6 =	vld.idx.msk [tilespmem:v6+s2+$0x0], $0xffff  }
0x9c: {  	v5 =	vld.idx.msk [tilespmem:v5+s2+$0x0], $0xffff;
	_ =	sdelay $0x3  }
0x9d: {  	[tilespmem:s1+$0x20] =	vst v6  }
0x9e: {  	v6 =	vld [tilespmem:s3+$0x30];
	[tilespmem:s1+$0xFFFFFFA0] =	vst v5  }
0x9f: {  	v5 =	vld [tilespmem:s3+$0xFFFFFFB0];
	_ =	sdelay $0x6  }
0xa0: {  	v6 =	vld.idx.msk [tilespmem:v6+s2+$0x0], $0xffff  }
0xa1: {  	v5 =	vld.idx.msk [tilespmem:v5+s2+$0x0], $0xffff;
	_ =	sdelay $0x2  }
0xa2: {  	[tilespmem:s0+$0xFFFFFFB0] =	vst v4  }
0xa3: {  	[tilespmem:s1+$0x30] =	vst v6;
	v6 =	vld [tilespmem:s31+$0xFFFFFFC0]  }
0xa4: {  	v4 =	vld [tilespmem:s3+$0x40];
	[tilespmem:s1+$0xFFFFFFB0] =	vst v5  }
0xa5: {  	v5 =	vld [tilespmem:s3+$0xFFFFFFC0];
	_ =	sdelay $0x4  }
0xa6: {  	v3 =	vld.idx.msk [tilespmem:v3+s2+$0x0], $0xffff  }
0xa7: {  	v6 =	vld.idx.msk [tilespmem:v6+s2+$0x0], $0xffff  }
0xa8: {  	v4 =	vld.idx.msk [tilespmem:v4+s2+$0x0], $0xffff  }
0xa9: {  	v5 =	vld.idx.msk [tilespmem:v5+s2+$0x0], $0xffff;
	_ =	sdelay $0x1  }
0xaa: {  	[tilespmem:s0+$0x40] =	vst v3  }
0xab: {  	v3 =	vld [tilespmem:s31+$0x50];
	[tilespmem:s0+$0xFFFFFFC0] =	vst v6  }
0xac: {  	[tilespmem:s1+$0x40] =	vst v4;
	v6 =	vld [tilespmem:s31+$0xFFFFFFD0]  }
0xad: {  	v4 =	vld [tilespmem:s3+$0x50];
	[tilespmem:s1+$0xFFFFFFC0] =	vst v5  }
0xae: {  	v5 =	vld [tilespmem:s3+$0xFFFFFFD0];
	_ =	sdelay $0x4  }
0xaf: {  	v3 =	vld.idx.msk [tilespmem:v3+s2+$0x0], $0xffff  }
0xb0: {  	v6 =	vld.idx.msk [tilespmem:v6+s2+$0x0], $0xffff  }
0xb1: {  	v4 =	vld.idx.msk [tilespmem:v4+s2+$0x0], $0xffff  }
0xb2: {  	v5 =	vld.idx.msk [tilespmem:v5+s2+$0x0], $0xffff  }
0xb3: {  	v1 =	vld.idx.msk [tilespmem:v1+s2+$0x0], $0xffff;
	[tilespmem:s29+$0xFFFFFFD0] =	vst v2  }
0xb4: {  	[tilespmem:s0+$0x50] =	vst v3;
	v3 =	vld [tilespmem:s30+$0xFFFFFFE0]  }
0xb5: {  	v2 =	vld [tilespmem:s31+$0x60];
	[tilespmem:s0+$0xFFFFFFD0] =	vst v6  }
0xb6: {  	[tilespmem:s1+$0x50] =	vst v4;
	v6 =	vld [tilespmem:s31+$0xFFFFFFE0]  }
0xb7: {  	v4 =	vld [tilespmem:s3+$0x60];
	[tilespmem:s1+$0xFFFFFFD0] =	vst v5  }
0xb8: {  	v5 =	vld [tilespmem:s3+$0xFFFFFFE0];
	_ =	sdelay $0x1  }
0xb9: {  	[tilespmem:s29+$0x60] =	vst v1  }
0xba: {  	v1 =	vld [tilespmem:s30+$0x70]  }
0xbb: {  	v3 =	vld.idx.msk [tilespmem:v3+s2+$0x0], $0xffff  }
0xbc: {  	v2 =	vld.idx.msk [tilespmem:v2+s2+$0x0], $0xffff  }
0xbd: {  	v6 =	vld.idx.msk [tilespmem:v6+s2+$0x0], $0xffff  }
0xbe: {  	v4 =	vld.idx.msk [tilespmem:v4+s2+$0x0], $0xffff  }
0xbf: {  	v5 =	vld.idx.msk [tilespmem:v5+s2+$0x0], $0xffff  }
0xc0: {  	[tilespmem:s29+$0xFFFFFFE0] =	vst v3  }
0xc1: {  	[tilespmem:s0+$0x60] =	vst v2;
	v3 =	vld [tilespmem:s30+$0xFFFFFFF0]  }
0xc2: {  	v2 =	vld [tilespmem:s31+$0x70];
	[tilespmem:s0+$0xFFFFFFE0] =	vst v6  }
0xc3: {  	[tilespmem:s1+$0x60] =	vst v4;
	v6 =	vld [tilespmem:s31+$0xFFFFFFF0]  }
0xc4: {  	v4 =	vld [tilespmem:s3+$0x70];
	[tilespmem:s1+$0xFFFFFFE0] =	vst v5  }
0xc5: {  	v5 =	vld [tilespmem:s3+$0xFFFFFFF0]  }
0xc6: {  	v1 =	vld.idx.msk [tilespmem:v1+s2+$0x0], $0xffff;
	_ =	sdelay $0x1  }
0xc7: {  	v0 =	vld.idx.msk [tilespmem:v0+s2+$0x0], $0xffff  }
0xc8: {  	v3 =	vld.idx.msk [tilespmem:v3+s2+$0x0], $0xffff  }
0xc9: {  	v2 =	vld.idx.msk [tilespmem:v2+s2+$0x0], $0xffff  }
0xca: {  	[tilespmem:s29+$0x70] =	vst v1;
	v1 =	vld.idx.msk [tilespmem:v6+s2+$0x0], $0xffff  }
0xcb: {  	v4 =	vld.idx.msk [tilespmem:v4+s2+$0x0], $0xffff  }
0xcc: {  	[tilespmem:s28+$0xFFFFFFF0] =	vst v0;
	v0 =	vld.idx.msk [tilespmem:v5+s2+$0x0], $0xffff  }
0xcd: {  	[tilespmem:s29+$0xFFFFFFF0] =	vst v3  }
0xce: {  	[tilespmem:s0+$0x70] =	vst v2  }
0xcf: {  	[tilespmem:s0+$0xFFFFFFF0] =	vst v1  }
0xd0: {  	[tilespmem:s1+$0x70] =	vst v4  }
0xd1: {  	[tilespmem:s1+$0xFFFFFFF0] =	vst v0  }
0xd2: {  	[hbm4b:s6+s15] =	stream.strided.scatter [tilespmem:s21], [sflag:$0x4], $0x1400, s16, s15, $0x38;
	[tilespmem:$0x1E000] =	vst v63  }
0xd3: {  	_ = 	snop  }
0xd4: {  	[tilespmem:s17], [sflag:$0x2] =	stream.strided.gather [hbm4b:s7+s15], $0x1400, s16, s15, $0x38;
	[tilespmem:$0x1E000] =	vst v63  }
0xd5: {  	_ =	swait.ge [sflag:s22], $0x1400  }
0xd6: {  	[sflag:s22] =	ssyncset.done $0x0  }
0xd7: {  	s18 =	simm.s32 $0x1A480;
	[sflag:s22] =	ssyncadd.s32 $0xFFFFEC00  }
0xd8: {  	v0 =	vld [tilespmem:s18+$0x0];
	_ =	sdelay $0x1  }
0xd9: {  	v1 =	vld [tilespmem:s18+$0xFFFFFF80];
	_ =	sdelay $0x5  }
0xda: {  	v0 =	vld.idx.msk [tilespmem:v0+s2+$0x0], $0xffff;
	_ =	sdelay $0x1  }
0xdb: {  	v1 =	vld.idx.msk [tilespmem:v1+s2+$0x0], $0xffff;
	_ =	sdelay $0x1  }
0xdc: {  	s28 =	simm.s32 $0x1CC80  }
0xdd: {  	[tilespmem:s28+$0x0] =	vst v0  }
0xde: {  	v0 =	vld [tilespmem:s18+$0x10]  }
0xdf: {  	[tilespmem:s28+$0xFFFFFF80] =	vst v1  }
0xe0: {  	v1 =	vld [tilespmem:s18+$0xFFFFFF90];
	_ =	sdelay $0x3  }
0xe1: {  	s30 =	simm.s32 $0x1A580  }
0xe2: {  	v2 =	vld [tilespmem:s30+$0x0]  }
0xe3: {  	v0 =	vld.idx.msk [tilespmem:v0+s2+$0x0], $0xffff;
	_ =	sdelay $0x1  }
0xe4: {  	v1 =	vld.idx.msk [tilespmem:v1+s2+$0x0], $0xffff;
	_ =	sdelay $0x2  }
0xe5: {  	[tilespmem:s28+$0x10] =	vst v0  }
0xe6: {  	v0 =	vld [tilespmem:s18+$0x20]  }
0xe7: {  	[tilespmem:s28+$0xFFFFFF90] =	vst v1;
	v1 =	vld.idx.msk [tilespmem:v2+s2+$0x0], $0xffff  }
0xe8: {  	v3 =	vld [tilespmem:s30+$0xFFFFFF80];
	_ =	sdelay $0x1  }
0xe9: {  	v2 =	vld [tilespmem:s18+$0xFFFFFFA0]  }
0xea: {  	s29 =	simm.s32 $0x1CD80  }
0xeb: {  	[tilespmem:s29+$0x0] =	vst v1  }
0xec: {  	v1 =	vld [tilespmem:s30+$0x10]  }
0xed: {  	v0 =	vld.idx.msk [tilespmem:v0+s2+$0x0], $0xffff;
	_ =	sdelay $0x1  }
0xee: {  	v3 =	vld.idx.msk [tilespmem:v3+s2+$0x0], $0xffff;
	_ =	sdelay $0x1  }
0xef: {  	v2 =	vld.idx.msk [tilespmem:v2+s2+$0x0], $0xffff  }
0xf0: {  	[tilespmem:s28+$0x20] =	vst v0  }
0xf1: {  	v0 =	vld [tilespmem:s18+$0x30]  }
0xf2: {  	[tilespmem:s29+$0xFFFFFF80] =	vst v3;
	v1 =	vld.idx.msk [tilespmem:v1+s2+$0x0], $0xffff  }
0xf3: {  	v3 =	vld [tilespmem:s30+$0xFFFFFF90]  }
0xf4: {  	[tilespmem:s28+$0xFFFFFFA0] =	vst v2  }
0xf5: {  	v2 =	vld [tilespmem:s18+$0xFFFFFFB0];
	_ =	sdelay $0x1  }
0xf6: {  	[tilespmem:s29+$0x10] =	vst v1  }
0xf7: {  	v1 =	vld [tilespmem:s30+$0x20]  }
0xf8: {  	s31 =	simm.s32 $0x1A680;
	v0 =	vld.idx.msk [tilespmem:v0+s2+$0x0], $0xffff  }
0xf9: {  	v4 =	vld [tilespmem:s31+$0x0]  }
0xfa: {  	v3 =	vld.idx.msk [tilespmem:v3+s2+$0x0], $0xffff  }
0xfb: {  	v5 =	vld [tilespmem:s31+$0xFFFFFF80]  }
0xfc: {  	v2 =	vld.idx.msk [tilespmem:v2+s2+$0x0], $0xffff  }
0xfd: {  	[tilespmem:s28+$0x30] =	vst v0  }
0xfe: {  	v0 =	vld [tilespmem:s18+$0x40]  }
0xff: {  	[tilespmem:s29+$0xFFFFFF90] =	vst v3;
	v1 =	vld.idx.msk [tilespmem:v1+s2+$0x0], $0xffff  }
0x100: {  	v3 =	vld [tilespmem:s30+$0xFFFFFFA0]  }
0x101: {  	v4 =	vld.idx.msk [tilespmem:v4+s2+$0x0], $0xffff;
	[tilespmem:s28+$0xFFFFFFB0] =	vst v2  }
0x102: {  	v2 =	vld [tilespmem:s18+$0xFFFFFFC0]  }
0x103: {  	s3 =	simm.s32 $0x1A780;
	v5 =	vld.idx.msk [tilespmem:v5+s2+$0x0], $0xffff  }
0x104: {  	v6 =	vld [tilespmem:s3+$0x0];
	[tilespmem:s29+$0x20] =	vst v1  }
0x105: {  	s0 =	simm.s32 $0x1CE80;
	v1 =	vld [tilespmem:s30+$0x30]  }
0x106: {  	[tilespmem:s0+$0x0] =	vst v4;
	v0 =	vld.idx.msk [tilespmem:v0+s2+$0x0], $0xffff  }
0x107: {  	v4 =	vld [tilespmem:s31+$0x10]  }
0x108: {  	[tilespmem:s0+$0xFFFFFF80] =	vst v5;
	v3 =	vld.idx.msk [tilespmem:v3+s2+$0x0], $0xffff  }
0x109: {  	v5 =	vld [tilespmem:s31+$0xFFFFFF90]  }
0x10a: {  	v2 =	vld.idx.msk [tilespmem:v2+s2+$0x0], $0xffff  }
0x10b: {  	v7 =	vld [tilespmem:s3+$0xFFFFFF80];
	[tilespmem:s28+$0x40] =	vst v0  }
0x10c: {  	v0 =	vld [tilespmem:s18+$0x50]  }
0x10d: {  	[tilespmem:s29+$0xFFFFFFA0] =	vst v3;
	v1 =	vld.idx.msk [tilespmem:v1+s2+$0x0], $0xffff  }
0x10e: {  	v3 =	vld [tilespmem:s30+$0xFFFFFFB0]  }
0x10f: {  	v4 =	vld.idx.msk [tilespmem:v4+s2+$0x0], $0xffff;
	[tilespmem:s28+$0xFFFFFFC0] =	vst v2  }
0x110: {  	v2 =	vld [tilespmem:s18+$0xFFFFFFD0]  }
0x111: {  	v5 =	vld.idx.msk [tilespmem:v5+s2+$0x0], $0xffff  }
0x112: {  	v6 =	vld.idx.msk [tilespmem:v6+s2+$0x0], $0xffff;
	[tilespmem:s29+$0x30] =	vst v1  }
0x113: {  	v1 =	vld [tilespmem:s30+$0x40]  }
0x114: {  	[tilespmem:s0+$0x10] =	vst v4;
	v0 =	vld.idx.msk [tilespmem:v0+s2+$0x0], $0xffff  }
0x115: {  	v4 =	vld [tilespmem:s31+$0x20]  }
0x116: {  	[tilespmem:s0+$0xFFFFFF90] =	vst v5;
	v3 =	vld.idx.msk [tilespmem:v3+s2+$0x0], $0xffff  }
0x117: {  	v5 =	vld [tilespmem:s31+$0xFFFFFFA0]  }
0x118: {  	v2 =	vld.idx.msk [tilespmem:v2+s2+$0x0], $0xffff  }
0x119: {  	v7 =	vld.idx.msk [tilespmem:v7+s2+$0x0], $0xffff;
	[tilespmem:s28+$0x50] =	vst v0  }
0x11a: {  	v0 =	vld [tilespmem:s18+$0x60]  }
0x11b: {  	s1 =	simm.s32 $0x1CF80;
	[tilespmem:s29+$0xFFFFFFB0] =	vst v3;
	v1 =	vld.idx.msk [tilespmem:v1+s2+$0x0], $0xffff  }
0x11c: {  	[tilespmem:s1+$0x0] =	vst v6;
	v3 =	vld [tilespmem:s30+$0xFFFFFFC0]  }
0x11d: {  	[tilespmem:s28+$0xFFFFFFD0] =	vst v2;
	v2 =	vld.idx.msk [tilespmem:v4+s2+$0x0], $0xffff  }
0x11e: {  	v6 =	vld [tilespmem:s3+$0x10]  }
0x11f: {  	v4 =	vld [tilespmem:s18+$0xFFFFFFE0]  }
0x120: {  	v5 =	vld.idx.msk [tilespmem:v5+s2+$0x0], $0xffff;
	[tilespmem:s29+$0x40] =	vst v1  }
0x121: {  	v1 =	vld [tilespmem:s30+$0x50]  }
0x122: {  	[tilespmem:s0+$0x20] =	vst v2;
	v0 =	vld.idx.msk [tilespmem:v0+s2+$0x0], $0xffff  }
0x123: {  	v2 =	vld [tilespmem:s31+$0x30]  }
0x124: {  	[tilespmem:s1+$0xFFFFFF80] =	vst v7;
	v3 =	vld.idx.msk [tilespmem:v3+s2+$0x0], $0xffff  }
0x125: {  	v8 =	vld [tilespmem:s3+$0xFFFFFF90];
	[tilespmem:s0+$0xFFFFFFA0] =	vst v5  }
0x126: {  	v9 =	vld [tilespmem:s31+$0xFFFFFFB0]  }
0x127: {  	v4 =	vld.idx.msk [tilespmem:v4+s2+$0x0], $0xffff;
	[tilespmem:s28+$0x60] =	vst v0  }
0x128: {  	v0 =	vld [tilespmem:s18+$0x70]  }
0x129: {  	[tilespmem:s29+$0xFFFFFFC0] =	vst v3;
	v1 =	vld.idx.msk [tilespmem:v1+s2+$0x0], $0xffff  }
0x12a: {  	v10 =	vld [tilespmem:s30+$0xFFFFFFD0]  }
0x12b: {  	v2 =	vld.idx.msk [tilespmem:v2+s2+$0x0], $0xffff  }
0x12c: {  	[tilespmem:s28+$0xFFFFFFE0] =	vst v4;
	v4 =	vld.idx.msk [tilespmem:v6+s2+$0x0], $0xffff;
	_ =	sdelay $0x1  }
0x12d: {  	v5 =	vld.idx.msk [tilespmem:v8+s2+$0x0], $0xffff;
	[tilespmem:s29+$0x50] =	vst v1  }
0x12e: {  	v1 =	vld [tilespmem:s30+$0x60]  }
0x12f: {  	[tilespmem:s0+$0x30] =	vst v2;
	v7 =	vld.idx.msk [tilespmem:v0+s2+$0x0], $0xffff  }
0x130: {  	[tilespmem:s1+$0x10] =	vst v4;
	v4 =	vld.idx.msk [tilespmem:v9+s2+$0x0], $0xffff  }
0x131: {  	v3 =	vld [tilespmem:s31+$0x40]  }
0x132: {  	v2 =	vld.idx.msk [tilespmem:v10+s2+$0x0], $0xffff  }
0x133: {  	v6 =	vld [tilespmem:s3+$0x20]  }
0x134: {  	s23 =	simm.s32 $0x1A880;
	v0 =	vld [tilespmem:s18+$0xFFFFFFF0];
	s18 =	simm.s32 $0x6;
	[tilespmem:s28+$0x70] =	vst v7  }
.LBB2_4:
0x135: {  	v7 =	vld [tilespmem:s23+$0x0];
	s18 =	sadd.s32 $0x2, s18;
	s4 =	smov.u32 s0;
	s0 =	smov.u32 s1  }
0x136: {  	v8 =	vld [tilespmem:s23+$0xFFFFFF80];
	p0 =	slt.u32 s18, $0x26;
	[tilespmem:s1+$0xFFFFFF90] =	vst v5  }
0x137: {  	v1 =	vld.idx.msk [tilespmem:v1+s2+$0x0], $0xffff  }
0x138: {  	v5 =	vld [tilespmem:s3+$0xFFFFFFA0];
	[tilespmem:s4+$0xFFFFFFB0] =	vst v4  }
0x139: {  	v3 =	vld.idx.msk [tilespmem:v3+s2+$0x0], $0xffff  }
0x13a: {  	v4 =	vld [tilespmem:s31+$0xFFFFFFC0];
	[tilespmem:s29+$0xFFFFFFD0] =	vst v2  }
0x13b: {  	v2 =	vld.idx.msk [tilespmem:v6+s2+$0x0], $0xffff  }
0x13c: {  	v6 =	vld [tilespmem:s30+$0xFFFFFFE0]  }
0x13d: {  	v7 =	vld.idx.msk [tilespmem:v7+s2+$0x0], $0xffff;
	[tilespmem:s29+$0x60] =	vst v1  }
0x13e: {  	v1 =	vld [tilespmem:s30+$0x70]  }
0x13f: {  	v8 =	vld.idx.msk [tilespmem:v8+s2+$0x0], $0xffff;
	[tilespmem:s4+$0x40] =	vst v3  }
0x140: {  	v3 =	vld [tilespmem:s31+$0x50]  }
0x141: {  	v5 =	vld.idx.msk [tilespmem:v5+s2+$0x0], $0xffff;
	[tilespmem:s1+$0x20] =	vst v2  }
0x142: {  	s1 =	sadd.s32 $0x100, s1;
	v2 =	vld [tilespmem:s3+$0x30]  }
0x143: {  	[tilespmem:s1+$0x0] =	vst v7;
	v4 =	vld.idx.msk [tilespmem:v4+s2+$0x0], $0xffff  }
0x144: {  	v7 =	vld [tilespmem:s23+$0x10]  }
0x145: {  	[tilespmem:s1+$0xFFFFFF80] =	vst v8;
	v6 =	vld.idx.msk [tilespmem:v6+s2+$0x0], $0xffff  }
0x146: {  	v1 =	vld.idx.msk [tilespmem:v1+s2+$0x0], $0xffff  }
0x147: {  	v8 =	vld [tilespmem:s23+$0xFFFFFF90];
	[tilespmem:s0+$0xFFFFFFA0] =	vst v5  }
0x148: {  	v3 =	vld.idx.msk [tilespmem:v3+s2+$0x0], $0xffff  }
0x149: {  	v9 =	vld [tilespmem:s3+$0xFFFFFFB0];
	[tilespmem:s4+$0xFFFFFFC0] =	vst v4  }
0x14a: {  	v2 =	vld.idx.msk [tilespmem:v2+s2+$0x0], $0xffff  }
0x14b: {  	v10 =	vld [tilespmem:s31+$0xFFFFFFD0];
	[tilespmem:s29+$0xFFFFFFE0] =	vst v6  }
0x14c: {  	v4 =	vld.idx.msk [tilespmem:v7+s2+$0x0], $0xffff;
	[tilespmem:s29+$0x70] =	vst v1  }
0x14d: {  	v6 =	vld [tilespmem:s30+$0xFFFFFFF0];
	s30 =	smov.u32 s31;
	s31 =	smov.u32 s3;
	s3 =	smov.u32 s23  }
0x14e: {  	[tilespmem:s4+$0x50] =	vst v3;
	v7 =	vld.idx.msk [tilespmem:v0+s2+$0x0], $0xffff  }
0x14f: {  	v1 =	vld [tilespmem:s30+$0x60]  }
.Ltmp1:
0x150: {  	v5 =	vld.idx.msk [tilespmem:v8+s2+$0x0], $0xffff;
	[tilespmem:s0+$0x30] =	vst v2;
	(pc) =	sbr.rel @p0 .LBB2_4-.Ltmp1, $4  }
0x151: {  	v3 =	vld [tilespmem:s31+$0x40]  }
0x152: {  	[tilespmem:s1+$0x10] =	vst v4;
	v4 =	vld.idx.msk [tilespmem:v9+s2+$0x0], $0xffff;
	v0 =	vmov v6  }
0x153: {  	v6 =	vld [tilespmem:s23+$0x20]  }
0x154: {  	s23 =	sadd.s32 $0x100, s23;
	v2 =	vld.idx.msk [tilespmem:v10+s2+$0x0], $0xffff;
	[tilespmem:s28+$0xFFFFFFF0] =	vst v7;
	s28 =	smov.u32 s29;
	s29 =	smov.u32 s4  }
0x155: {  	[tilespmem:s1+$0xFFFFFF90] =	vst v5  }
0x156: {  	v5 =	vld [tilespmem:s3+$0xFFFFFFA0];
	_ =	sdelay $0x6  }
0x157: {  	v6 =	vld.idx.msk [tilespmem:v6+s2+$0x0], $0xffff  }
0x158: {  	v5 =	vld.idx.msk [tilespmem:v5+s2+$0x0], $0xffff;
	_ =	sdelay $0x3  }
0x159: {  	[tilespmem:s1+$0x20] =	vst v6  }
0x15a: {  	v6 =	vld [tilespmem:s3+$0x30];
	[tilespmem:s1+$0xFFFFFFA0] =	vst v5  }
0x15b: {  	v5 =	vld [tilespmem:s3+$0xFFFFFFB0];
	_ =	sdelay $0x6  }
0x15c: {  	v6 =	vld.idx.msk [tilespmem:v6+s2+$0x0], $0xffff  }
0x15d: {  	v5 =	vld.idx.msk [tilespmem:v5+s2+$0x0], $0xffff;
	_ =	sdelay $0x2  }
0x15e: {  	[tilespmem:s0+$0xFFFFFFB0] =	vst v4  }
0x15f: {  	[tilespmem:s1+$0x30] =	vst v6;
	v6 =	vld [tilespmem:s31+$0xFFFFFFC0]  }
0x160: {  	v4 =	vld [tilespmem:s3+$0x40];
	[tilespmem:s1+$0xFFFFFFB0] =	vst v5  }
0x161: {  	v5 =	vld [tilespmem:s3+$0xFFFFFFC0];
	_ =	sdelay $0x4  }
0x162: {  	v3 =	vld.idx.msk [tilespmem:v3+s2+$0x0], $0xffff  }
0x163: {  	v6 =	vld.idx.msk [tilespmem:v6+s2+$0x0], $0xffff  }
0x164: {  	v4 =	vld.idx.msk [tilespmem:v4+s2+$0x0], $0xffff  }
0x165: {  	v5 =	vld.idx.msk [tilespmem:v5+s2+$0x0], $0xffff;
	_ =	sdelay $0x1  }
0x166: {  	[tilespmem:s0+$0x40] =	vst v3  }
0x167: {  	v3 =	vld [tilespmem:s31+$0x50];
	[tilespmem:s0+$0xFFFFFFC0] =	vst v6  }
0x168: {  	[tilespmem:s1+$0x40] =	vst v4;
	v6 =	vld [tilespmem:s31+$0xFFFFFFD0]  }
0x169: {  	v4 =	vld [tilespmem:s3+$0x50];
	[tilespmem:s1+$0xFFFFFFC0] =	vst v5  }
0x16a: {  	v5 =	vld [tilespmem:s3+$0xFFFFFFD0];
	_ =	sdelay $0x4  }
0x16b: {  	v3 =	vld.idx.msk [tilespmem:v3+s2+$0x0], $0xffff  }
0x16c: {  	v6 =	vld.idx.msk [tilespmem:v6+s2+$0x0], $0xffff  }
0x16d: {  	v4 =	vld.idx.msk [tilespmem:v4+s2+$0x0], $0xffff  }
0x16e: {  	v5 =	vld.idx.msk [tilespmem:v5+s2+$0x0], $0xffff  }
0x16f: {  	v1 =	vld.idx.msk [tilespmem:v1+s2+$0x0], $0xffff;
	[tilespmem:s29+$0xFFFFFFD0] =	vst v2  }
0x170: {  	[tilespmem:s0+$0x50] =	vst v3;
	v3 =	vld [tilespmem:s30+$0xFFFFFFE0]  }
0x171: {  	v2 =	vld [tilespmem:s31+$0x60];
	[tilespmem:s0+$0xFFFFFFD0] =	vst v6  }
0x172: {  	[tilespmem:s1+$0x50] =	vst v4;
	v6 =	vld [tilespmem:s31+$0xFFFFFFE0]  }
0x173: {  	v4 =	vld [tilespmem:s3+$0x60];
	[tilespmem:s1+$0xFFFFFFD0] =	vst v5  }
0x174: {  	v5 =	vld [tilespmem:s3+$0xFFFFFFE0];
	_ =	sdelay $0x1  }
0x175: {  	[tilespmem:s29+$0x60] =	vst v1  }
0x176: {  	v1 =	vld [tilespmem:s30+$0x70]  }
0x177: {  	v3 =	vld.idx.msk [tilespmem:v3+s2+$0x0], $0xffff  }
0x178: {  	v2 =	vld.idx.msk [tilespmem:v2+s2+$0x0], $0xffff  }
0x179: {  	v6 =	vld.idx.msk [tilespmem:v6+s2+$0x0], $0xffff  }
0x17a: {  	v4 =	vld.idx.msk [tilespmem:v4+s2+$0x0], $0xffff  }
0x17b: {  	v5 =	vld.idx.msk [tilespmem:v5+s2+$0x0], $0xffff  }
0x17c: {  	[tilespmem:s29+$0xFFFFFFE0] =	vst v3  }
0x17d: {  	[tilespmem:s0+$0x60] =	vst v2;
	v3 =	vld [tilespmem:s30+$0xFFFFFFF0]  }
0x17e: {  	v2 =	vld [tilespmem:s31+$0x70];
	[tilespmem:s0+$0xFFFFFFE0] =	vst v6  }
0x17f: {  	[tilespmem:s1+$0x60] =	vst v4;
	v6 =	vld [tilespmem:s31+$0xFFFFFFF0]  }
0x180: {  	v4 =	vld [tilespmem:s3+$0x70];
	[tilespmem:s1+$0xFFFFFFE0] =	vst v5  }
0x181: {  	v5 =	vld [tilespmem:s3+$0xFFFFFFF0]  }
0x182: {  	v1 =	vld.idx.msk [tilespmem:v1+s2+$0x0], $0xffff;
	_ =	sdelay $0x1  }
0x183: {  	v0 =	vld.idx.msk [tilespmem:v0+s2+$0x0], $0xffff  }
0x184: {  	v3 =	vld.idx.msk [tilespmem:v3+s2+$0x0], $0xffff  }
0x185: {  	v2 =	vld.idx.msk [tilespmem:v2+s2+$0x0], $0xffff  }
0x186: {  	[tilespmem:s29+$0x70] =	vst v1;
	v1 =	vld.idx.msk [tilespmem:v6+s2+$0x0], $0xffff  }
0x187: {  	v4 =	vld.idx.msk [tilespmem:v4+s2+$0x0], $0xffff  }
0x188: {  	[tilespmem:s28+$0xFFFFFFF0] =	vst v0;
	v0 =	vld.idx.msk [tilespmem:v5+s2+$0x0], $0xffff  }
0x189: {  	[tilespmem:s29+$0xFFFFFFF0] =	vst v3  }
0x18a: {  	[tilespmem:s0+$0x70] =	vst v2  }
0x18b: {  	[tilespmem:s0+$0xFFFFFFF0] =	vst v1  }
0x18c: {  	[tilespmem:s1+$0x70] =	vst v4  }
0x18d: {  	s18 =	simm.s32 $0x1CC00;
	[tilespmem:s1+$0xFFFFFFF0] =	vst v0  }
0x18e: {  	[hbm4b:s8+s15] =	stream.strided.scatter [tilespmem:s18], [sflag:$0x5], $0x1400, s16, s15, $0x38;
	[tilespmem:$0x1E000] =	vst v63  }
0x18f: {  	s23 =	simm.s32 $0x1A400  }
0x190: {  	[tilespmem:s23], [sflag:$0x3] =	stream.strided.gather [hbm4b:s9+s15], $0x1400, s16, s15, $0x38;
	[tilespmem:$0x1E000] =	vst v63  }
0x191: {  	_ =	swait.ge [sflag:s20], $0x1400  }
0x192: {  	[sflag:s20] =	ssyncset.done $0x0  }
0x193: {  	[sflag:s20] =	ssyncadd.s32 $0xFFFFEC00  }
0x194: {  	_ =	swait.ge [sflag:s24], $0x1400  }
0x195: {  	[sflag:s24] =	ssyncset.done $0x0  }
0x196: {  	s18 =	simm.s32 $0x19080;
	[sflag:s24] =	ssyncadd.s32 $0xFFFFEC00  }
0x197: {  	v0 =	vld [tilespmem:s18+$0x0];
	_ =	sdelay $0x1  }
0x198: {  	v1 =	vld [tilespmem:s18+$0xFFFFFF80];
	_ =	sdelay $0x5  }
0x199: {  	v0 =	vld.idx.msk [tilespmem:v0+s2+$0x0], $0xffff;
	_ =	sdelay $0x1  }
0x19a: {  	v1 =	vld.idx.msk [tilespmem:v1+s2+$0x0], $0xffff;
	_ =	sdelay $0x1  }
0x19b: {  	s28 =	simm.s32 $0x1B880  }
0x19c: {  	[tilespmem:s28+$0x0] =	vst v0  }
0x19d: {  	v0 =	vld [tilespmem:s18+$0x10]  }
0x19e: {  	[tilespmem:s28+$0xFFFFFF80] =	vst v1  }
0x19f: {  	v1 =	vld [tilespmem:s18+$0xFFFFFF90];
	_ =	sdelay $0x3  }
0x1a0: {  	s30 =	simm.s32 $0x19180  }
0x1a1: {  	v2 =	vld [tilespmem:s30+$0x0]  }
0x1a2: {  	v0 =	vld.idx.msk [tilespmem:v0+s2+$0x0], $0xffff;
	_ =	sdelay $0x1  }
0x1a3: {  	v1 =	vld.idx.msk [tilespmem:v1+s2+$0x0], $0xffff;
	_ =	sdelay $0x2  }
0x1a4: {  	[tilespmem:s28+$0x10] =	vst v0  }
0x1a5: {  	v0 =	vld [tilespmem:s18+$0x20]  }
0x1a6: {  	[tilespmem:s28+$0xFFFFFF90] =	vst v1;
	v1 =	vld.idx.msk [tilespmem:v2+s2+$0x0], $0xffff  }
0x1a7: {  	v3 =	vld [tilespmem:s30+$0xFFFFFF80];
	_ =	sdelay $0x1  }
0x1a8: {  	v2 =	vld [tilespmem:s18+$0xFFFFFFA0]  }
0x1a9: {  	s29 =	simm.s32 $0x1B980  }
0x1aa: {  	[tilespmem:s29+$0x0] =	vst v1  }
0x1ab: {  	v1 =	vld [tilespmem:s30+$0x10]  }
0x1ac: {  	v0 =	vld.idx.msk [tilespmem:v0+s2+$0x0], $0xffff;
	_ =	sdelay $0x1  }
0x1ad: {  	v3 =	vld.idx.msk [tilespmem:v3+s2+$0x0], $0xffff;
	_ =	sdelay $0x1  }
0x1ae: {  	v2 =	vld.idx.msk [tilespmem:v2+s2+$0x0], $0xffff  }
0x1af: {  	[tilespmem:s28+$0x20] =	vst v0  }
0x1b0: {  	v0 =	vld [tilespmem:s18+$0x30]  }
0x1b1: {  	[tilespmem:s29+$0xFFFFFF80] =	vst v3;
	v1 =	vld.idx.msk [tilespmem:v1+s2+$0x0], $0xffff  }
0x1b2: {  	v3 =	vld [tilespmem:s30+$0xFFFFFF90]  }
0x1b3: {  	[tilespmem:s28+$0xFFFFFFA0] =	vst v2  }
0x1b4: {  	v2 =	vld [tilespmem:s18+$0xFFFFFFB0];
	_ =	sdelay $0x1  }
0x1b5: {  	[tilespmem:s29+$0x10] =	vst v1  }
0x1b6: {  	v1 =	vld [tilespmem:s30+$0x20]  }
0x1b7: {  	s31 =	simm.s32 $0x19280;
	v0 =	vld.idx.msk [tilespmem:v0+s2+$0x0], $0xffff  }
0x1b8: {  	v4 =	vld [tilespmem:s31+$0x0]  }
0x1b9: {  	v3 =	vld.idx.msk [tilespmem:v3+s2+$0x0], $0xffff  }
0x1ba: {  	v5 =	vld [tilespmem:s31+$0xFFFFFF80]  }
0x1bb: {  	v2 =	vld.idx.msk [tilespmem:v2+s2+$0x0], $0xffff  }
0x1bc: {  	[tilespmem:s28+$0x30] =	vst v0  }
0x1bd: {  	v0 =	vld [tilespmem:s18+$0x40]  }
0x1be: {  	[tilespmem:s29+$0xFFFFFF90] =	vst v3;
	v1 =	vld.idx.msk [tilespmem:v1+s2+$0x0], $0xffff  }
0x1bf: {  	v3 =	vld [tilespmem:s30+$0xFFFFFFA0]  }
0x1c0: {  	v4 =	vld.idx.msk [tilespmem:v4+s2+$0x0], $0xffff;
	[tilespmem:s28+$0xFFFFFFB0] =	vst v2  }
0x1c1: {  	v2 =	vld [tilespmem:s18+$0xFFFFFFC0]  }
0x1c2: {  	s3 =	simm.s32 $0x19380;
	v5 =	vld.idx.msk [tilespmem:v5+s2+$0x0], $0xffff  }
0x1c3: {  	v6 =	vld [tilespmem:s3+$0x0];
	[tilespmem:s29+$0x20] =	vst v1  }
0x1c4: {  	s0 =	simm.s32 $0x1BA80;
	v1 =	vld [tilespmem:s30+$0x30]  }
0x1c5: {  	[tilespmem:s0+$0x0] =	vst v4;
	v0 =	vld.idx.msk [tilespmem:v0+s2+$0x0], $0xffff  }
0x1c6: {  	v4 =	vld [tilespmem:s31+$0x10]  }
0x1c7: {  	[tilespmem:s0+$0xFFFFFF80] =	vst v5;
	v3 =	vld.idx.msk [tilespmem:v3+s2+$0x0], $0xffff  }
0x1c8: {  	v5 =	vld [tilespmem:s31+$0xFFFFFF90]  }
0x1c9: {  	v2 =	vld.idx.msk [tilespmem:v2+s2+$0x0], $0xffff  }
0x1ca: {  	v7 =	vld [tilespmem:s3+$0xFFFFFF80];
	[tilespmem:s28+$0x40] =	vst v0  }
0x1cb: {  	v0 =	vld [tilespmem:s18+$0x50]  }
0x1cc: {  	[tilespmem:s29+$0xFFFFFFA0] =	vst v3;
	v1 =	vld.idx.msk [tilespmem:v1+s2+$0x0], $0xffff  }
0x1cd: {  	v3 =	vld [tilespmem:s30+$0xFFFFFFB0]  }
0x1ce: {  	v4 =	vld.idx.msk [tilespmem:v4+s2+$0x0], $0xffff;
	[tilespmem:s28+$0xFFFFFFC0] =	vst v2  }
0x1cf: {  	v2 =	vld [tilespmem:s18+$0xFFFFFFD0]  }
0x1d0: {  	v5 =	vld.idx.msk [tilespmem:v5+s2+$0x0], $0xffff  }
0x1d1: {  	v6 =	vld.idx.msk [tilespmem:v6+s2+$0x0], $0xffff;
	[tilespmem:s29+$0x30] =	vst v1  }
0x1d2: {  	v1 =	vld [tilespmem:s30+$0x40]  }
0x1d3: {  	[tilespmem:s0+$0x10] =	vst v4;
	v0 =	vld.idx.msk [tilespmem:v0+s2+$0x0], $0xffff  }
0x1d4: {  	v4 =	vld [tilespmem:s31+$0x20]  }
0x1d5: {  	[tilespmem:s0+$0xFFFFFF90] =	vst v5;
	v3 =	vld.idx.msk [tilespmem:v3+s2+$0x0], $0xffff  }
0x1d6: {  	v5 =	vld [tilespmem:s31+$0xFFFFFFA0]  }
0x1d7: {  	v2 =	vld.idx.msk [tilespmem:v2+s2+$0x0], $0xffff  }
0x1d8: {  	v7 =	vld.idx.msk [tilespmem:v7+s2+$0x0], $0xffff;
	[tilespmem:s28+$0x50] =	vst v0  }
0x1d9: {  	v0 =	vld [tilespmem:s18+$0x60]  }
0x1da: {  	s1 =	simm.s32 $0x1BB80;
	[tilespmem:s29+$0xFFFFFFB0] =	vst v3;
	v1 =	vld.idx.msk [tilespmem:v1+s2+$0x0], $0xffff  }
0x1db: {  	[tilespmem:s1+$0x0] =	vst v6;
	v3 =	vld [tilespmem:s30+$0xFFFFFFC0]  }
0x1dc: {  	[tilespmem:s28+$0xFFFFFFD0] =	vst v2;
	v2 =	vld.idx.msk [tilespmem:v4+s2+$0x0], $0xffff  }
0x1dd: {  	v6 =	vld [tilespmem:s3+$0x10]  }
0x1de: {  	v4 =	vld [tilespmem:s18+$0xFFFFFFE0]  }
0x1df: {  	v5 =	vld.idx.msk [tilespmem:v5+s2+$0x0], $0xffff;
	[tilespmem:s29+$0x40] =	vst v1  }
0x1e0: {  	v1 =	vld [tilespmem:s30+$0x50]  }
0x1e1: {  	[tilespmem:s0+$0x20] =	vst v2;
	v0 =	vld.idx.msk [tilespmem:v0+s2+$0x0], $0xffff  }
0x1e2: {  	v2 =	vld [tilespmem:s31+$0x30]  }
0x1e3: {  	[tilespmem:s1+$0xFFFFFF80] =	vst v7;
	v3 =	vld.idx.msk [tilespmem:v3+s2+$0x0], $0xffff  }
0x1e4: {  	v8 =	vld [tilespmem:s3+$0xFFFFFF90];
	[tilespmem:s0+$0xFFFFFFA0] =	vst v5  }
0x1e5: {  	v9 =	vld [tilespmem:s31+$0xFFFFFFB0]  }
0x1e6: {  	v4 =	vld.idx.msk [tilespmem:v4+s2+$0x0], $0xffff;
	[tilespmem:s28+$0x60] =	vst v0  }
0x1e7: {  	v0 =	vld [tilespmem:s18+$0x70]  }
0x1e8: {  	[tilespmem:s29+$0xFFFFFFC0] =	vst v3;
	v1 =	vld.idx.msk [tilespmem:v1+s2+$0x0], $0xffff  }
0x1e9: {  	v10 =	vld [tilespmem:s30+$0xFFFFFFD0]  }
0x1ea: {  	v2 =	vld.idx.msk [tilespmem:v2+s2+$0x0], $0xffff  }
0x1eb: {  	[tilespmem:s28+$0xFFFFFFE0] =	vst v4;
	v4 =	vld.idx.msk [tilespmem:v6+s2+$0x0], $0xffff;
	_ =	sdelay $0x1  }
0x1ec: {  	v5 =	vld.idx.msk [tilespmem:v8+s2+$0x0], $0xffff;
	[tilespmem:s29+$0x50] =	vst v1  }
0x1ed: {  	v1 =	vld [tilespmem:s30+$0x60]  }
0x1ee: {  	[tilespmem:s0+$0x30] =	vst v2;
	v7 =	vld.idx.msk [tilespmem:v0+s2+$0x0], $0xffff  }
0x1ef: {  	[tilespmem:s1+$0x10] =	vst v4;
	v4 =	vld.idx.msk [tilespmem:v9+s2+$0x0], $0xffff  }
0x1f0: {  	v3 =	vld [tilespmem:s31+$0x40]  }
0x1f1: {  	v2 =	vld.idx.msk [tilespmem:v10+s2+$0x0], $0xffff  }
0x1f2: {  	v6 =	vld [tilespmem:s3+$0x20]  }
0x1f3: {  	s23 =	simm.s32 $0x19480;
	v0 =	vld [tilespmem:s18+$0xFFFFFFF0];
	s18 =	simm.s32 $0x6;
	[tilespmem:s28+$0x70] =	vst v7  }
.LBB2_6:
0x1f4: {  	v7 =	vld [tilespmem:s23+$0x0];
	s18 =	sadd.s32 $0x2, s18;
	s4 =	smov.u32 s0;
	s0 =	smov.u32 s1  }
0x1f5: {  	v8 =	vld [tilespmem:s23+$0xFFFFFF80];
	p0 =	slt.u32 s18, $0x26;
	[tilespmem:s1+$0xFFFFFF90] =	vst v5  }
0x1f6: {  	v1 =	vld.idx.msk [tilespmem:v1+s2+$0x0], $0xffff  }
0x1f7: {  	v5 =	vld [tilespmem:s3+$0xFFFFFFA0];
	[tilespmem:s4+$0xFFFFFFB0] =	vst v4  }
0x1f8: {  	v3 =	vld.idx.msk [tilespmem:v3+s2+$0x0], $0xffff  }
0x1f9: {  	v4 =	vld [tilespmem:s31+$0xFFFFFFC0];
	[tilespmem:s29+$0xFFFFFFD0] =	vst v2  }
0x1fa: {  	v2 =	vld.idx.msk [tilespmem:v6+s2+$0x0], $0xffff  }
0x1fb: {  	v6 =	vld [tilespmem:s30+$0xFFFFFFE0]  }
0x1fc: {  	v7 =	vld.idx.msk [tilespmem:v7+s2+$0x0], $0xffff;
	[tilespmem:s29+$0x60] =	vst v1  }
0x1fd: {  	v1 =	vld [tilespmem:s30+$0x70]  }
0x1fe: {  	v8 =	vld.idx.msk [tilespmem:v8+s2+$0x0], $0xffff;
	[tilespmem:s4+$0x40] =	vst v3  }
0x1ff: {  	v3 =	vld [tilespmem:s31+$0x50]  }
0x200: {  	v5 =	vld.idx.msk [tilespmem:v5+s2+$0x0], $0xffff;
	[tilespmem:s1+$0x20] =	vst v2  }
0x201: {  	s1 =	sadd.s32 $0x100, s1;
	v2 =	vld [tilespmem:s3+$0x30]  }
0x202: {  	[tilespmem:s1+$0x0] =	vst v7;
	v4 =	vld.idx.msk [tilespmem:v4+s2+$0x0], $0xffff  }
0x203: {  	v7 =	vld [tilespmem:s23+$0x10]  }
0x204: {  	[tilespmem:s1+$0xFFFFFF80] =	vst v8;
	v6 =	vld.idx.msk [tilespmem:v6+s2+$0x0], $0xffff  }
0x205: {  	v1 =	vld.idx.msk [tilespmem:v1+s2+$0x0], $0xffff  }
0x206: {  	v8 =	vld [tilespmem:s23+$0xFFFFFF90];
	[tilespmem:s0+$0xFFFFFFA0] =	vst v5  }
0x207: {  	v3 =	vld.idx.msk [tilespmem:v3+s2+$0x0], $0xffff  }
0x208: {  	v9 =	vld [tilespmem:s3+$0xFFFFFFB0];
	[tilespmem:s4+$0xFFFFFFC0] =	vst v4  }
0x209: {  	v2 =	vld.idx.msk [tilespmem:v2+s2+$0x0], $0xffff  }
0x20a: {  	v10 =	vld [tilespmem:s31+$0xFFFFFFD0];
	[tilespmem:s29+$0xFFFFFFE0] =	vst v6  }
0x20b: {  	v4 =	vld.idx.msk [tilespmem:v7+s2+$0x0], $0xffff;
	[tilespmem:s29+$0x70] =	vst v1  }
0x20c: {  	v6 =	vld [tilespmem:s30+$0xFFFFFFF0];
	s30 =	smov.u32 s31;
	s31 =	smov.u32 s3;
	s3 =	smov.u32 s23  }
0x20d: {  	[tilespmem:s4+$0x50] =	vst v3;
	v7 =	vld.idx.msk [tilespmem:v0+s2+$0x0], $0xffff  }
0x20e: {  	v1 =	vld [tilespmem:s30+$0x60]  }
.Ltmp2:
0x20f: {  	v5 =	vld.idx.msk [tilespmem:v8+s2+$0x0], $0xffff;
	[tilespmem:s0+$0x30] =	vst v2;
	(pc) =	sbr.rel @p0 .LBB2_6-.Ltmp2, $4  }
0x210: {  	v3 =	vld [tilespmem:s31+$0x40]  }
0x211: {  	[tilespmem:s1+$0x10] =	vst v4;
	v4 =	vld.idx.msk [tilespmem:v9+s2+$0x0], $0xffff;
	v0 =	vmov v6  }
0x212: {  	v6 =	vld [tilespmem:s23+$0x20]  }
0x213: {  	s23 =	sadd.s32 $0x100, s23;
	v2 =	vld.idx.msk [tilespmem:v10+s2+$0x0], $0xffff;
	[tilespmem:s28+$0xFFFFFFF0] =	vst v7;
	s28 =	smov.u32 s29;
	s29 =	smov.u32 s4  }
0x214: {  	[tilespmem:s1+$0xFFFFFF90] =	vst v5  }
0x215: {  	v5 =	vld [tilespmem:s3+$0xFFFFFFA0];
	_ =	sdelay $0x6  }
0x216: {  	v6 =	vld.idx.msk [tilespmem:v6+s2+$0x0], $0xffff  }
0x217: {  	v5 =	vld.idx.msk [tilespmem:v5+s2+$0x0], $0xffff;
	_ =	sdelay $0x3  }
0x218: {  	[tilespmem:s1+$0x20] =	vst v6  }
0x219: {  	v6 =	vld [tilespmem:s3+$0x30];
	[tilespmem:s1+$0xFFFFFFA0] =	vst v5  }
0x21a: {  	v5 =	vld [tilespmem:s3+$0xFFFFFFB0];
	_ =	sdelay $0x6  }
0x21b: {  	v6 =	vld.idx.msk [tilespmem:v6+s2+$0x0], $0xffff  }
0x21c: {  	v5 =	vld.idx.msk [tilespmem:v5+s2+$0x0], $0xffff;
	_ =	sdelay $0x2  }
0x21d: {  	[tilespmem:s0+$0xFFFFFFB0] =	vst v4  }
0x21e: {  	[tilespmem:s1+$0x30] =	vst v6;
	v6 =	vld [tilespmem:s31+$0xFFFFFFC0]  }
0x21f: {  	v4 =	vld [tilespmem:s3+$0x40];
	[tilespmem:s1+$0xFFFFFFB0] =	vst v5  }
0x220: {  	v5 =	vld [tilespmem:s3+$0xFFFFFFC0];
	_ =	sdelay $0x4  }
0x221: {  	v3 =	vld.idx.msk [tilespmem:v3+s2+$0x0], $0xffff  }
0x222: {  	v6 =	vld.idx.msk [tilespmem:v6+s2+$0x0], $0xffff  }
0x223: {  	v4 =	vld.idx.msk [tilespmem:v4+s2+$0x0], $0xffff  }
0x224: {  	v5 =	vld.idx.msk [tilespmem:v5+s2+$0x0], $0xffff;
	_ =	sdelay $0x1  }
0x225: {  	[tilespmem:s0+$0x40] =	vst v3  }
0x226: {  	v3 =	vld [tilespmem:s31+$0x50];
	[tilespmem:s0+$0xFFFFFFC0] =	vst v6  }
0x227: {  	[tilespmem:s1+$0x40] =	vst v4;
	v6 =	vld [tilespmem:s31+$0xFFFFFFD0]  }
0x228: {  	v4 =	vld [tilespmem:s3+$0x50];
	[tilespmem:s1+$0xFFFFFFC0] =	vst v5  }
0x229: {  	v5 =	vld [tilespmem:s3+$0xFFFFFFD0];
	_ =	sdelay $0x4  }
0x22a: {  	v3 =	vld.idx.msk [tilespmem:v3+s2+$0x0], $0xffff  }
0x22b: {  	v6 =	vld.idx.msk [tilespmem:v6+s2+$0x0], $0xffff  }
0x22c: {  	v4 =	vld.idx.msk [tilespmem:v4+s2+$0x0], $0xffff  }
0x22d: {  	v5 =	vld.idx.msk [tilespmem:v5+s2+$0x0], $0xffff  }
0x22e: {  	v1 =	vld.idx.msk [tilespmem:v1+s2+$0x0], $0xffff;
	[tilespmem:s29+$0xFFFFFFD0] =	vst v2  }
0x22f: {  	[tilespmem:s0+$0x50] =	vst v3;
	v3 =	vld [tilespmem:s30+$0xFFFFFFE0]  }
0x230: {  	v2 =	vld [tilespmem:s31+$0x60];
	[tilespmem:s0+$0xFFFFFFD0] =	vst v6  }
0x231: {  	[tilespmem:s1+$0x50] =	vst v4;
	v6 =	vld [tilespmem:s31+$0xFFFFFFE0]  }
0x232: {  	v4 =	vld [tilespmem:s3+$0x60];
	[tilespmem:s1+$0xFFFFFFD0] =	vst v5  }
0x233: {  	v5 =	vld [tilespmem:s3+$0xFFFFFFE0];
	_ =	sdelay $0x1  }
0x234: {  	[tilespmem:s29+$0x60] =	vst v1  }
0x235: {  	v1 =	vld [tilespmem:s30+$0x70]  }
0x236: {  	v3 =	vld.idx.msk [tilespmem:v3+s2+$0x0], $0xffff  }
0x237: {  	v2 =	vld.idx.msk [tilespmem:v2+s2+$0x0], $0xffff  }
0x238: {  	v6 =	vld.idx.msk [tilespmem:v6+s2+$0x0], $0xffff  }
0x239: {  	v4 =	vld.idx.msk [tilespmem:v4+s2+$0x0], $0xffff  }
0x23a: {  	v5 =	vld.idx.msk [tilespmem:v5+s2+$0x0], $0xffff  }
0x23b: {  	[tilespmem:s29+$0xFFFFFFE0] =	vst v3  }
0x23c: {  	[tilespmem:s0+$0x60] =	vst v2;
	v3 =	vld [tilespmem:s30+$0xFFFFFFF0]  }
0x23d: {  	v2 =	vld [tilespmem:s31+$0x70];
	[tilespmem:s0+$0xFFFFFFE0] =	vst v6  }
0x23e: {  	[tilespmem:s1+$0x60] =	vst v4;
	v6 =	vld [tilespmem:s31+$0xFFFFFFF0]  }
0x23f: {  	v4 =	vld [tilespmem:s3+$0x70];
	[tilespmem:s1+$0xFFFFFFE0] =	vst v5  }
0x240: {  	v5 =	vld [tilespmem:s3+$0xFFFFFFF0]  }
0x241: {  	v1 =	vld.idx.msk [tilespmem:v1+s2+$0x0], $0xffff;
	_ =	sdelay $0x1  }
0x242: {  	v0 =	vld.idx.msk [tilespmem:v0+s2+$0x0], $0xffff  }
0x243: {  	v3 =	vld.idx.msk [tilespmem:v3+s2+$0x0], $0xffff  }
0x244: {  	v2 =	vld.idx.msk [tilespmem:v2+s2+$0x0], $0xffff  }
0x245: {  	[tilespmem:s29+$0x70] =	vst v1;
	v1 =	vld.idx.msk [tilespmem:v6+s2+$0x0], $0xffff  }
0x246: {  	v4 =	vld.idx.msk [tilespmem:v4+s2+$0x0], $0xffff  }
0x247: {  	[tilespmem:s28+$0xFFFFFFF0] =	vst v0;
	v0 =	vld.idx.msk [tilespmem:v5+s2+$0x0], $0xffff  }
0x248: {  	[tilespmem:s29+$0xFFFFFFF0] =	vst v3  }
0x249: {  	[tilespmem:s0+$0x70] =	vst v2  }
0x24a: {  	[tilespmem:s0+$0xFFFFFFF0] =	vst v1  }
0x24b: {  	[tilespmem:s1+$0x70] =	vst v4  }
0x24c: {  	[tilespmem:s1+$0xFFFFFFF0] =	vst v0  }
0x24d: {  	[hbm4b:s10+s15] =	stream.strided.scatter [tilespmem:s21], [sflag:$0x4], $0x1400, s16, s15, $0x38;
	[tilespmem:$0x1E000] =	vst v63  }
0x24e: {  	_ = 	snop  }
0x24f: {  	[tilespmem:s17], [sflag:$0x2] =	stream.strided.gather [hbm4b:s11+s15], $0x1400, s16, s15, $0x38;
	[tilespmem:$0x1E000] =	vst v63  }
0x250: {  	_ =	swait.ge [sflag:s22], $0x1400  }
0x251: {  	[sflag:s22] =	ssyncset.done $0x0  }
0x252: {  	[sflag:s22] =	ssyncadd.s32 $0xFFFFEC00  }
0x253: {  	_ =	swait.ge [sflag:s25], $0x1400  }
0x254: {  	[sflag:s25] =	ssyncset.done $0x0  }
0x255: {  	s18 =	simm.s32 $0x1A480;
	[sflag:s25] =	ssyncadd.s32 $0xFFFFEC00  }
0x256: {  	v0 =	vld [tilespmem:s18+$0x0];
	_ =	sdelay $0x1  }
0x257: {  	v1 =	vld [tilespmem:s18+$0xFFFFFF80];
	_ =	sdelay $0x5  }
0x258: {  	v0 =	vld.idx.msk [tilespmem:v0+s2+$0x0], $0xffff;
	_ =	sdelay $0x1  }
0x259: {  	v1 =	vld.idx.msk [tilespmem:v1+s2+$0x0], $0xffff;
	_ =	sdelay $0x1  }
0x25a: {  	s28 =	simm.s32 $0x1CC80  }
0x25b: {  	[tilespmem:s28+$0x0] =	vst v0  }
0x25c: {  	v0 =	vld [tilespmem:s18+$0x10]  }
0x25d: {  	[tilespmem:s28+$0xFFFFFF80] =	vst v1  }
0x25e: {  	v1 =	vld [tilespmem:s18+$0xFFFFFF90];
	_ =	sdelay $0x3  }
0x25f: {  	s30 =	simm.s32 $0x1A580  }
0x260: {  	v2 =	vld [tilespmem:s30+$0x0]  }
0x261: {  	v0 =	vld.idx.msk [tilespmem:v0+s2+$0x0], $0xffff;
	_ =	sdelay $0x1  }
0x262: {  	v1 =	vld.idx.msk [tilespmem:v1+s2+$0x0], $0xffff;
	_ =	sdelay $0x2  }
0x263: {  	[tilespmem:s28+$0x10] =	vst v0  }
0x264: {  	v0 =	vld [tilespmem:s18+$0x20]  }
0x265: {  	[tilespmem:s28+$0xFFFFFF90] =	vst v1;
	v1 =	vld.idx.msk [tilespmem:v2+s2+$0x0], $0xffff  }
0x266: {  	v3 =	vld [tilespmem:s30+$0xFFFFFF80];
	_ =	sdelay $0x1  }
0x267: {  	v2 =	vld [tilespmem:s18+$0xFFFFFFA0]  }
0x268: {  	s29 =	simm.s32 $0x1CD80  }
0x269: {  	[tilespmem:s29+$0x0] =	vst v1  }
0x26a: {  	v1 =	vld [tilespmem:s30+$0x10]  }
0x26b: {  	v0 =	vld.idx.msk [tilespmem:v0+s2+$0x0], $0xffff;
	_ =	sdelay $0x1  }
0x26c: {  	v3 =	vld.idx.msk [tilespmem:v3+s2+$0x0], $0xffff;
	_ =	sdelay $0x1  }
0x26d: {  	v2 =	vld.idx.msk [tilespmem:v2+s2+$0x0], $0xffff  }
0x26e: {  	[tilespmem:s28+$0x20] =	vst v0  }
0x26f: {  	v0 =	vld [tilespmem:s18+$0x30]  }
0x270: {  	[tilespmem:s29+$0xFFFFFF80] =	vst v3;
	v1 =	vld.idx.msk [tilespmem:v1+s2+$0x0], $0xffff  }
0x271: {  	v3 =	vld [tilespmem:s30+$0xFFFFFF90]  }
0x272: {  	[tilespmem:s28+$0xFFFFFFA0] =	vst v2  }
0x273: {  	v2 =	vld [tilespmem:s18+$0xFFFFFFB0];
	_ =	sdelay $0x1  }
0x274: {  	[tilespmem:s29+$0x10] =	vst v1  }
0x275: {  	v1 =	vld [tilespmem:s30+$0x20]  }
0x276: {  	s31 =	simm.s32 $0x1A680;
	v0 =	vld.idx.msk [tilespmem:v0+s2+$0x0], $0xffff  }
0x277: {  	v4 =	vld [tilespmem:s31+$0x0]  }
0x278: {  	v3 =	vld.idx.msk [tilespmem:v3+s2+$0x0], $0xffff  }
0x279: {  	v5 =	vld [tilespmem:s31+$0xFFFFFF80]  }
0x27a: {  	v2 =	vld.idx.msk [tilespmem:v2+s2+$0x0], $0xffff  }
0x27b: {  	[tilespmem:s28+$0x30] =	vst v0  }
0x27c: {  	v0 =	vld [tilespmem:s18+$0x40]  }
0x27d: {  	[tilespmem:s29+$0xFFFFFF90] =	vst v3;
	v1 =	vld.idx.msk [tilespmem:v1+s2+$0x0], $0xffff  }
0x27e: {  	v3 =	vld [tilespmem:s30+$0xFFFFFFA0]  }
0x27f: {  	v4 =	vld.idx.msk [tilespmem:v4+s2+$0x0], $0xffff;
	[tilespmem:s28+$0xFFFFFFB0] =	vst v2  }
0x280: {  	v2 =	vld [tilespmem:s18+$0xFFFFFFC0]  }
0x281: {  	s3 =	simm.s32 $0x1A780;
	v5 =	vld.idx.msk [tilespmem:v5+s2+$0x0], $0xffff  }
0x282: {  	v6 =	vld [tilespmem:s3+$0x0];
	[tilespmem:s29+$0x20] =	vst v1  }
0x283: {  	s0 =	simm.s32 $0x1CE80;
	v1 =	vld [tilespmem:s30+$0x30]  }
0x284: {  	[tilespmem:s0+$0x0] =	vst v4;
	v0 =	vld.idx.msk [tilespmem:v0+s2+$0x0], $0xffff  }
0x285: {  	v4 =	vld [tilespmem:s31+$0x10]  }
0x286: {  	[tilespmem:s0+$0xFFFFFF80] =	vst v5;
	v3 =	vld.idx.msk [tilespmem:v3+s2+$0x0], $0xffff  }
0x287: {  	v5 =	vld [tilespmem:s31+$0xFFFFFF90]  }
0x288: {  	v2 =	vld.idx.msk [tilespmem:v2+s2+$0x0], $0xffff  }
0x289: {  	v7 =	vld [tilespmem:s3+$0xFFFFFF80];
	[tilespmem:s28+$0x40] =	vst v0  }
0x28a: {  	v0 =	vld [tilespmem:s18+$0x50]  }
0x28b: {  	[tilespmem:s29+$0xFFFFFFA0] =	vst v3;
	v1 =	vld.idx.msk [tilespmem:v1+s2+$0x0], $0xffff  }
0x28c: {  	v3 =	vld [tilespmem:s30+$0xFFFFFFB0]  }
0x28d: {  	v4 =	vld.idx.msk [tilespmem:v4+s2+$0x0], $0xffff;
	[tilespmem:s28+$0xFFFFFFC0] =	vst v2  }
0x28e: {  	v2 =	vld [tilespmem:s18+$0xFFFFFFD0]  }
0x28f: {  	v5 =	vld.idx.msk [tilespmem:v5+s2+$0x0], $0xffff  }
0x290: {  	v6 =	vld.idx.msk [tilespmem:v6+s2+$0x0], $0xffff;
	[tilespmem:s29+$0x30] =	vst v1  }
0x291: {  	v1 =	vld [tilespmem:s30+$0x40]  }
0x292: {  	[tilespmem:s0+$0x10] =	vst v4;
	v0 =	vld.idx.msk [tilespmem:v0+s2+$0x0], $0xffff  }
0x293: {  	v4 =	vld [tilespmem:s31+$0x20]  }
0x294: {  	[tilespmem:s0+$0xFFFFFF90] =	vst v5;
	v3 =	vld.idx.msk [tilespmem:v3+s2+$0x0], $0xffff  }
0x295: {  	v5 =	vld [tilespmem:s31+$0xFFFFFFA0]  }
0x296: {  	v2 =	vld.idx.msk [tilespmem:v2+s2+$0x0], $0xffff  }
0x297: {  	v7 =	vld.idx.msk [tilespmem:v7+s2+$0x0], $0xffff;
	[tilespmem:s28+$0x50] =	vst v0  }
0x298: {  	v0 =	vld [tilespmem:s18+$0x60]  }
0x299: {  	s1 =	simm.s32 $0x1CF80;
	[tilespmem:s29+$0xFFFFFFB0] =	vst v3;
	v1 =	vld.idx.msk [tilespmem:v1+s2+$0x0], $0xffff  }
0x29a: {  	[tilespmem:s1+$0x0] =	vst v6;
	v3 =	vld [tilespmem:s30+$0xFFFFFFC0]  }
0x29b: {  	[tilespmem:s28+$0xFFFFFFD0] =	vst v2;
	v2 =	vld.idx.msk [tilespmem:v4+s2+$0x0], $0xffff  }
0x29c: {  	v6 =	vld [tilespmem:s3+$0x10]  }
0x29d: {  	v4 =	vld [tilespmem:s18+$0xFFFFFFE0]  }
0x29e: {  	v5 =	vld.idx.msk [tilespmem:v5+s2+$0x0], $0xffff;
	[tilespmem:s29+$0x40] =	vst v1  }
0x29f: {  	v1 =	vld [tilespmem:s30+$0x50]  }
0x2a0: {  	[tilespmem:s0+$0x20] =	vst v2;
	v0 =	vld.idx.msk [tilespmem:v0+s2+$0x0], $0xffff  }
0x2a1: {  	v2 =	vld [tilespmem:s31+$0x30]  }
0x2a2: {  	[tilespmem:s1+$0xFFFFFF80] =	vst v7;
	v3 =	vld.idx.msk [tilespmem:v3+s2+$0x0], $0xffff  }
0x2a3: {  	v8 =	vld [tilespmem:s3+$0xFFFFFF90];
	[tilespmem:s0+$0xFFFFFFA0] =	vst v5  }
0x2a4: {  	v9 =	vld [tilespmem:s31+$0xFFFFFFB0]  }
0x2a5: {  	v4 =	vld.idx.msk [tilespmem:v4+s2+$0x0], $0xffff;
	[tilespmem:s28+$0x60] =	vst v0  }
0x2a6: {  	v0 =	vld [tilespmem:s18+$0x70]  }
0x2a7: {  	[tilespmem:s29+$0xFFFFFFC0] =	vst v3;
	v1 =	vld.idx.msk [tilespmem:v1+s2+$0x0], $0xffff  }
0x2a8: {  	v10 =	vld [tilespmem:s30+$0xFFFFFFD0]  }
0x2a9: {  	v2 =	vld.idx.msk [tilespmem:v2+s2+$0x0], $0xffff  }
0x2aa: {  	[tilespmem:s28+$0xFFFFFFE0] =	vst v4;
	v4 =	vld.idx.msk [tilespmem:v6+s2+$0x0], $0xffff;
	_ =	sdelay $0x1  }
0x2ab: {  	v5 =	vld.idx.msk [tilespmem:v8+s2+$0x0], $0xffff;
	[tilespmem:s29+$0x50] =	vst v1  }
0x2ac: {  	v1 =	vld [tilespmem:s30+$0x60]  }
0x2ad: {  	[tilespmem:s0+$0x30] =	vst v2;
	v7 =	vld.idx.msk [tilespmem:v0+s2+$0x0], $0xffff  }
0x2ae: {  	[tilespmem:s1+$0x10] =	vst v4;
	v4 =	vld.idx.msk [tilespmem:v9+s2+$0x0], $0xffff  }
0x2af: {  	v3 =	vld [tilespmem:s31+$0x40]  }
0x2b0: {  	v2 =	vld.idx.msk [tilespmem:v10+s2+$0x0], $0xffff  }
0x2b1: {  	v6 =	vld [tilespmem:s3+$0x20]  }
0x2b2: {  	s23 =	simm.s32 $0x1A880;
	v0 =	vld [tilespmem:s18+$0xFFFFFFF0];
	s18 =	simm.s32 $0x6;
	[tilespmem:s28+$0x70] =	vst v7  }
.LBB2_8:
0x2b3: {  	v7 =	vld [tilespmem:s23+$0x0];
	s18 =	sadd.s32 $0x2, s18;
	s4 =	smov.u32 s0;
	s0 =	smov.u32 s1  }
0x2b4: {  	v8 =	vld [tilespmem:s23+$0xFFFFFF80];
	p0 =	slt.u32 s18, $0x26;
	[tilespmem:s1+$0xFFFFFF90] =	vst v5  }
0x2b5: {  	v1 =	vld.idx.msk [tilespmem:v1+s2+$0x0], $0xffff  }
0x2b6: {  	v5 =	vld [tilespmem:s3+$0xFFFFFFA0];
	[tilespmem:s4+$0xFFFFFFB0] =	vst v4  }
0x2b7: {  	v3 =	vld.idx.msk [tilespmem:v3+s2+$0x0], $0xffff  }
0x2b8: {  	v4 =	vld [tilespmem:s31+$0xFFFFFFC0];
	[tilespmem:s29+$0xFFFFFFD0] =	vst v2  }
0x2b9: {  	v2 =	vld.idx.msk [tilespmem:v6+s2+$0x0], $0xffff  }
0x2ba: {  	v6 =	vld [tilespmem:s30+$0xFFFFFFE0]  }
0x2bb: {  	v7 =	vld.idx.msk [tilespmem:v7+s2+$0x0], $0xffff;
	[tilespmem:s29+$0x60] =	vst v1  }
0x2bc: {  	v1 =	vld [tilespmem:s30+$0x70]  }
0x2bd: {  	v8 =	vld.idx.msk [tilespmem:v8+s2+$0x0], $0xffff;
	[tilespmem:s4+$0x40] =	vst v3  }
0x2be: {  	v3 =	vld [tilespmem:s31+$0x50]  }
0x2bf: {  	v5 =	vld.idx.msk [tilespmem:v5+s2+$0x0], $0xffff;
	[tilespmem:s1+$0x20] =	vst v2  }
0x2c0: {  	s1 =	sadd.s32 $0x100, s1;
	v2 =	vld [tilespmem:s3+$0x30]  }
0x2c1: {  	[tilespmem:s1+$0x0] =	vst v7;
	v4 =	vld.idx.msk [tilespmem:v4+s2+$0x0], $0xffff  }
0x2c2: {  	v7 =	vld [tilespmem:s23+$0x10]  }
0x2c3: {  	[tilespmem:s1+$0xFFFFFF80] =	vst v8;
	v6 =	vld.idx.msk [tilespmem:v6+s2+$0x0], $0xffff  }
0x2c4: {  	v1 =	vld.idx.msk [tilespmem:v1+s2+$0x0], $0xffff  }
0x2c5: {  	v8 =	vld [tilespmem:s23+$0xFFFFFF90];
	[tilespmem:s0+$0xFFFFFFA0] =	vst v5  }
0x2c6: {  	v3 =	vld.idx.msk [tilespmem:v3+s2+$0x0], $0xffff  }
0x2c7: {  	v9 =	vld [tilespmem:s3+$0xFFFFFFB0];
	[tilespmem:s4+$0xFFFFFFC0] =	vst v4  }
0x2c8: {  	v2 =	vld.idx.msk [tilespmem:v2+s2+$0x0], $0xffff  }
0x2c9: {  	v10 =	vld [tilespmem:s31+$0xFFFFFFD0];
	[tilespmem:s29+$0xFFFFFFE0] =	vst v6  }
0x2ca: {  	v4 =	vld.idx.msk [tilespmem:v7+s2+$0x0], $0xffff;
	[tilespmem:s29+$0x70] =	vst v1  }
0x2cb: {  	v6 =	vld [tilespmem:s30+$0xFFFFFFF0];
	s30 =	smov.u32 s31;
	s31 =	smov.u32 s3;
	s3 =	smov.u32 s23  }
0x2cc: {  	[tilespmem:s4+$0x50] =	vst v3;
	v7 =	vld.idx.msk [tilespmem:v0+s2+$0x0], $0xffff  }
0x2cd: {  	v1 =	vld [tilespmem:s30+$0x60]  }
.Ltmp3:
0x2ce: {  	v5 =	vld.idx.msk [tilespmem:v8+s2+$0x0], $0xffff;
	[tilespmem:s0+$0x30] =	vst v2;
	(pc) =	sbr.rel @p0 .LBB2_8-.Ltmp3, $4  }
0x2cf: {  	v3 =	vld [tilespmem:s31+$0x40]  }
0x2d0: {  	[tilespmem:s1+$0x10] =	vst v4;
	v4 =	vld.idx.msk [tilespmem:v9+s2+$0x0], $0xffff;
	v0 =	vmov v6  }
0x2d1: {  	v6 =	vld [tilespmem:s23+$0x20]  }
0x2d2: {  	s23 =	sadd.s32 $0x100, s23;
	v2 =	vld.idx.msk [tilespmem:v10+s2+$0x0], $0xffff;
	[tilespmem:s28+$0xFFFFFFF0] =	vst v7;
	s28 =	smov.u32 s29;
	s29 =	smov.u32 s4  }
0x2d3: {  	[tilespmem:s1+$0xFFFFFF90] =	vst v5  }
0x2d4: {  	v5 =	vld [tilespmem:s3+$0xFFFFFFA0];
	_ =	sdelay $0x6  }
0x2d5: {  	v6 =	vld.idx.msk [tilespmem:v6+s2+$0x0], $0xffff  }
0x2d6: {  	v5 =	vld.idx.msk [tilespmem:v5+s2+$0x0], $0xffff;
	_ =	sdelay $0x3  }
0x2d7: {  	[tilespmem:s1+$0x20] =	vst v6  }
0x2d8: {  	v6 =	vld [tilespmem:s3+$0x30];
	[tilespmem:s1+$0xFFFFFFA0] =	vst v5  }
0x2d9: {  	v5 =	vld [tilespmem:s3+$0xFFFFFFB0];
	_ =	sdelay $0x6  }
0x2da: {  	v6 =	vld.idx.msk [tilespmem:v6+s2+$0x0], $0xffff  }
0x2db: {  	v5 =	vld.idx.msk [tilespmem:v5+s2+$0x0], $0xffff;
	_ =	sdelay $0x2  }
0x2dc: {  	[tilespmem:s0+$0xFFFFFFB0] =	vst v4  }
0x2dd: {  	[tilespmem:s1+$0x30] =	vst v6;
	v6 =	vld [tilespmem:s31+$0xFFFFFFC0]  }
0x2de: {  	v4 =	vld [tilespmem:s3+$0x40];
	[tilespmem:s1+$0xFFFFFFB0] =	vst v5  }
0x2df: {  	v5 =	vld [tilespmem:s3+$0xFFFFFFC0];
	_ =	sdelay $0x4  }
0x2e0: {  	v3 =	vld.idx.msk [tilespmem:v3+s2+$0x0], $0xffff  }
0x2e1: {  	v6 =	vld.idx.msk [tilespmem:v6+s2+$0x0], $0xffff  }
0x2e2: {  	v4 =	vld.idx.msk [tilespmem:v4+s2+$0x0], $0xffff  }
0x2e3: {  	v5 =	vld.idx.msk [tilespmem:v5+s2+$0x0], $0xffff;
	_ =	sdelay $0x1  }
0x2e4: {  	[tilespmem:s0+$0x40] =	vst v3  }
0x2e5: {  	v3 =	vld [tilespmem:s31+$0x50];
	[tilespmem:s0+$0xFFFFFFC0] =	vst v6  }
0x2e6: {  	[tilespmem:s1+$0x40] =	vst v4;
	v6 =	vld [tilespmem:s31+$0xFFFFFFD0]  }
0x2e7: {  	v4 =	vld [tilespmem:s3+$0x50];
	[tilespmem:s1+$0xFFFFFFC0] =	vst v5  }
0x2e8: {  	v5 =	vld [tilespmem:s3+$0xFFFFFFD0];
	_ =	sdelay $0x4  }
0x2e9: {  	v3 =	vld.idx.msk [tilespmem:v3+s2+$0x0], $0xffff  }
0x2ea: {  	v6 =	vld.idx.msk [tilespmem:v6+s2+$0x0], $0xffff  }
0x2eb: {  	v4 =	vld.idx.msk [tilespmem:v4+s2+$0x0], $0xffff  }
0x2ec: {  	v5 =	vld.idx.msk [tilespmem:v5+s2+$0x0], $0xffff  }
0x2ed: {  	v1 =	vld.idx.msk [tilespmem:v1+s2+$0x0], $0xffff;
	[tilespmem:s29+$0xFFFFFFD0] =	vst v2  }
0x2ee: {  	[tilespmem:s0+$0x50] =	vst v3;
	v3 =	vld [tilespmem:s30+$0xFFFFFFE0]  }
0x2ef: {  	v2 =	vld [tilespmem:s31+$0x60];
	[tilespmem:s0+$0xFFFFFFD0] =	vst v6  }
0x2f0: {  	[tilespmem:s1+$0x50] =	vst v4;
	v6 =	vld [tilespmem:s31+$0xFFFFFFE0]  }
0x2f1: {  	v4 =	vld [tilespmem:s3+$0x60];
	[tilespmem:s1+$0xFFFFFFD0] =	vst v5  }
0x2f2: {  	v5 =	vld [tilespmem:s3+$0xFFFFFFE0];
	_ =	sdelay $0x1  }
0x2f3: {  	[tilespmem:s29+$0x60] =	vst v1  }
0x2f4: {  	v1 =	vld [tilespmem:s30+$0x70]  }
0x2f5: {  	v3 =	vld.idx.msk [tilespmem:v3+s2+$0x0], $0xffff  }
0x2f6: {  	v2 =	vld.idx.msk [tilespmem:v2+s2+$0x0], $0xffff  }
0x2f7: {  	v6 =	vld.idx.msk [tilespmem:v6+s2+$0x0], $0xffff  }
0x2f8: {  	v4 =	vld.idx.msk [tilespmem:v4+s2+$0x0], $0xffff  }
0x2f9: {  	v5 =	vld.idx.msk [tilespmem:v5+s2+$0x0], $0xffff  }
0x2fa: {  	[tilespmem:s29+$0xFFFFFFE0] =	vst v3  }
0x2fb: {  	[tilespmem:s0+$0x60] =	vst v2;
	v3 =	vld [tilespmem:s30+$0xFFFFFFF0]  }
0x2fc: {  	v2 =	vld [tilespmem:s31+$0x70];
	[tilespmem:s0+$0xFFFFFFE0] =	vst v6  }
0x2fd: {  	[tilespmem:s1+$0x60] =	vst v4;
	v6 =	vld [tilespmem:s31+$0xFFFFFFF0]  }
0x2fe: {  	v4 =	vld [tilespmem:s3+$0x70];
	[tilespmem:s1+$0xFFFFFFE0] =	vst v5  }
0x2ff: {  	v5 =	vld [tilespmem:s3+$0xFFFFFFF0]  }
0x300: {  	v1 =	vld.idx.msk [tilespmem:v1+s2+$0x0], $0xffff;
	_ =	sdelay $0x1  }
0x301: {  	v0 =	vld.idx.msk [tilespmem:v0+s2+$0x0], $0xffff  }
0x302: {  	v3 =	vld.idx.msk [tilespmem:v3+s2+$0x0], $0xffff  }
0x303: {  	v2 =	vld.idx.msk [tilespmem:v2+s2+$0x0], $0xffff  }
0x304: {  	[tilespmem:s29+$0x70] =	vst v1;
	v1 =	vld.idx.msk [tilespmem:v6+s2+$0x0], $0xffff  }
0x305: {  	v4 =	vld.idx.msk [tilespmem:v4+s2+$0x0], $0xffff  }
0x306: {  	[tilespmem:s28+$0xFFFFFFF0] =	vst v0;
	v0 =	vld.idx.msk [tilespmem:v5+s2+$0x0], $0xffff  }
0x307: {  	[tilespmem:s29+$0xFFFFFFF0] =	vst v3  }
0x308: {  	[tilespmem:s0+$0x70] =	vst v2  }
0x309: {  	[tilespmem:s0+$0xFFFFFFF0] =	vst v1  }
0x30a: {  	[tilespmem:s1+$0x70] =	vst v4  }
0x30b: {  	s23 =	simm.s32 $0x1CC00;
	[tilespmem:s1+$0xFFFFFFF0] =	vst v0  }
0x30c: {  	[hbm4b:s12+s15] =	stream.strided.scatter [tilespmem:s23], [sflag:$0x5], $0x1400, s16, s15, $0x38;
	[tilespmem:$0x1E000] =	vst v63  }
0x30d: {  	_ =	swait.ge [sflag:s20], $0x1400  }
0x30e: {  	[sflag:s20] =	ssyncset.done $0x0  }
0x30f: {  	[sflag:s20] =	ssyncadd.s32 $0xFFFFEC00  }
0x310: {  	_ =	swait.ge [sflag:s24], $0x1400  }
0x311: {  	[sflag:s24] =	ssyncset.done $0x0  }
0x312: {  	s18 =	simm.s32 $0x19080;
	[sflag:s24] =	ssyncadd.s32 $0xFFFFEC00  }
0x313: {  	v0 =	vld [tilespmem:s18+$0x0];
	_ =	sdelay $0x1  }
0x314: {  	v1 =	vld [tilespmem:s18+$0xFFFFFF80];
	_ =	sdelay $0x5  }
0x315: {  	v0 =	vld.idx.msk [tilespmem:v0+s2+$0x0], $0xffff;
	_ =	sdelay $0x1  }
0x316: {  	v1 =	vld.idx.msk [tilespmem:v1+s2+$0x0], $0xffff;
	_ =	sdelay $0x1  }
0x317: {  	s28 =	simm.s32 $0x1B880  }
0x318: {  	[tilespmem:s28+$0x0] =	vst v0  }
0x319: {  	v0 =	vld [tilespmem:s18+$0x10]  }
0x31a: {  	[tilespmem:s28+$0xFFFFFF80] =	vst v1  }
0x31b: {  	v1 =	vld [tilespmem:s18+$0xFFFFFF90];
	_ =	sdelay $0x3  }
0x31c: {  	s30 =	simm.s32 $0x19180  }
0x31d: {  	v2 =	vld [tilespmem:s30+$0x0]  }
0x31e: {  	v0 =	vld.idx.msk [tilespmem:v0+s2+$0x0], $0xffff;
	_ =	sdelay $0x1  }
0x31f: {  	v1 =	vld.idx.msk [tilespmem:v1+s2+$0x0], $0xffff;
	_ =	sdelay $0x2  }
0x320: {  	[tilespmem:s28+$0x10] =	vst v0  }
0x321: {  	v0 =	vld [tilespmem:s18+$0x20]  }
0x322: {  	[tilespmem:s28+$0xFFFFFF90] =	vst v1;
	v1 =	vld.idx.msk [tilespmem:v2+s2+$0x0], $0xffff  }
0x323: {  	v3 =	vld [tilespmem:s30+$0xFFFFFF80];
	_ =	sdelay $0x1  }
0x324: {  	v2 =	vld [tilespmem:s18+$0xFFFFFFA0]  }
0x325: {  	s29 =	simm.s32 $0x1B980  }
0x326: {  	[tilespmem:s29+$0x0] =	vst v1  }
0x327: {  	v1 =	vld [tilespmem:s30+$0x10]  }
0x328: {  	v0 =	vld.idx.msk [tilespmem:v0+s2+$0x0], $0xffff;
	_ =	sdelay $0x1  }
0x329: {  	v3 =	vld.idx.msk [tilespmem:v3+s2+$0x0], $0xffff;
	_ =	sdelay $0x1  }
0x32a: {  	v2 =	vld.idx.msk [tilespmem:v2+s2+$0x0], $0xffff  }
0x32b: {  	[tilespmem:s28+$0x20] =	vst v0  }
0x32c: {  	v0 =	vld [tilespmem:s18+$0x30]  }
0x32d: {  	[tilespmem:s29+$0xFFFFFF80] =	vst v3;
	v1 =	vld.idx.msk [tilespmem:v1+s2+$0x0], $0xffff  }
0x32e: {  	v3 =	vld [tilespmem:s30+$0xFFFFFF90]  }
0x32f: {  	[tilespmem:s28+$0xFFFFFFA0] =	vst v2  }
0x330: {  	v2 =	vld [tilespmem:s18+$0xFFFFFFB0];
	_ =	sdelay $0x1  }
0x331: {  	[tilespmem:s29+$0x10] =	vst v1  }
0x332: {  	v1 =	vld [tilespmem:s30+$0x20]  }
0x333: {  	s31 =	simm.s32 $0x19280;
	v0 =	vld.idx.msk [tilespmem:v0+s2+$0x0], $0xffff  }
0x334: {  	v4 =	vld [tilespmem:s31+$0x0]  }
0x335: {  	v3 =	vld.idx.msk [tilespmem:v3+s2+$0x0], $0xffff  }
0x336: {  	v5 =	vld [tilespmem:s31+$0xFFFFFF80]  }
0x337: {  	v2 =	vld.idx.msk [tilespmem:v2+s2+$0x0], $0xffff  }
0x338: {  	[tilespmem:s28+$0x30] =	vst v0  }
0x339: {  	v0 =	vld [tilespmem:s18+$0x40]  }
0x33a: {  	[tilespmem:s29+$0xFFFFFF90] =	vst v3;
	v1 =	vld.idx.msk [tilespmem:v1+s2+$0x0], $0xffff  }
0x33b: {  	v3 =	vld [tilespmem:s30+$0xFFFFFFA0]  }
0x33c: {  	v4 =	vld.idx.msk [tilespmem:v4+s2+$0x0], $0xffff;
	[tilespmem:s28+$0xFFFFFFB0] =	vst v2  }
0x33d: {  	v2 =	vld [tilespmem:s18+$0xFFFFFFC0]  }
0x33e: {  	s3 =	simm.s32 $0x19380;
	v5 =	vld.idx.msk [tilespmem:v5+s2+$0x0], $0xffff  }
0x33f: {  	v6 =	vld [tilespmem:s3+$0x0];
	[tilespmem:s29+$0x20] =	vst v1  }
0x340: {  	s0 =	simm.s32 $0x1BA80;
	v1 =	vld [tilespmem:s30+$0x30]  }
0x341: {  	[tilespmem:s0+$0x0] =	vst v4;
	v0 =	vld.idx.msk [tilespmem:v0+s2+$0x0], $0xffff  }
0x342: {  	v4 =	vld [tilespmem:s31+$0x10]  }
0x343: {  	[tilespmem:s0+$0xFFFFFF80] =	vst v5;
	v3 =	vld.idx.msk [tilespmem:v3+s2+$0x0], $0xffff  }
0x344: {  	v5 =	vld [tilespmem:s31+$0xFFFFFF90]  }
0x345: {  	v2 =	vld.idx.msk [tilespmem:v2+s2+$0x0], $0xffff  }
0x346: {  	v7 =	vld [tilespmem:s3+$0xFFFFFF80];
	[tilespmem:s28+$0x40] =	vst v0  }
0x347: {  	v0 =	vld [tilespmem:s18+$0x50]  }
0x348: {  	[tilespmem:s29+$0xFFFFFFA0] =	vst v3;
	v1 =	vld.idx.msk [tilespmem:v1+s2+$0x0], $0xffff  }
0x349: {  	v3 =	vld [tilespmem:s30+$0xFFFFFFB0]  }
0x34a: {  	v4 =	vld.idx.msk [tilespmem:v4+s2+$0x0], $0xffff;
	[tilespmem:s28+$0xFFFFFFC0] =	vst v2  }
0x34b: {  	v2 =	vld [tilespmem:s18+$0xFFFFFFD0]  }
0x34c: {  	v5 =	vld.idx.msk [tilespmem:v5+s2+$0x0], $0xffff  }
0x34d: {  	v6 =	vld.idx.msk [tilespmem:v6+s2+$0x0], $0xffff;
	[tilespmem:s29+$0x30] =	vst v1  }
0x34e: {  	v1 =	vld [tilespmem:s30+$0x40]  }
0x34f: {  	[tilespmem:s0+$0x10] =	vst v4;
	v0 =	vld.idx.msk [tilespmem:v0+s2+$0x0], $0xffff  }
0x350: {  	v4 =	vld [tilespmem:s31+$0x20]  }
0x351: {  	[tilespmem:s0+$0xFFFFFF90] =	vst v5;
	v3 =	vld.idx.msk [tilespmem:v3+s2+$0x0], $0xffff  }
0x352: {  	v5 =	vld [tilespmem:s31+$0xFFFFFFA0]  }
0x353: {  	v2 =	vld.idx.msk [tilespmem:v2+s2+$0x0], $0xffff  }
0x354: {  	v7 =	vld.idx.msk [tilespmem:v7+s2+$0x0], $0xffff;
	[tilespmem:s28+$0x50] =	vst v0  }
0x355: {  	v0 =	vld [tilespmem:s18+$0x60]  }
0x356: {  	s1 =	simm.s32 $0x1BB80;
	[tilespmem:s29+$0xFFFFFFB0] =	vst v3;
	v1 =	vld.idx.msk [tilespmem:v1+s2+$0x0], $0xffff  }
0x357: {  	[tilespmem:s1+$0x0] =	vst v6;
	v3 =	vld [tilespmem:s30+$0xFFFFFFC0]  }
0x358: {  	[tilespmem:s28+$0xFFFFFFD0] =	vst v2;
	v2 =	vld.idx.msk [tilespmem:v4+s2+$0x0], $0xffff  }
0x359: {  	v6 =	vld [tilespmem:s3+$0x10]  }
0x35a: {  	v4 =	vld [tilespmem:s18+$0xFFFFFFE0]  }
0x35b: {  	v5 =	vld.idx.msk [tilespmem:v5+s2+$0x0], $0xffff;
	[tilespmem:s29+$0x40] =	vst v1  }
0x35c: {  	v1 =	vld [tilespmem:s30+$0x50]  }
0x35d: {  	[tilespmem:s0+$0x20] =	vst v2;
	v0 =	vld.idx.msk [tilespmem:v0+s2+$0x0], $0xffff  }
0x35e: {  	v2 =	vld [tilespmem:s31+$0x30]  }
0x35f: {  	[tilespmem:s1+$0xFFFFFF80] =	vst v7;
	v3 =	vld.idx.msk [tilespmem:v3+s2+$0x0], $0xffff  }
0x360: {  	v8 =	vld [tilespmem:s3+$0xFFFFFF90];
	[tilespmem:s0+$0xFFFFFFA0] =	vst v5  }
0x361: {  	v9 =	vld [tilespmem:s31+$0xFFFFFFB0]  }
0x362: {  	v4 =	vld.idx.msk [tilespmem:v4+s2+$0x0], $0xffff;
	[tilespmem:s28+$0x60] =	vst v0  }
0x363: {  	v0 =	vld [tilespmem:s18+$0x70]  }
0x364: {  	[tilespmem:s29+$0xFFFFFFC0] =	vst v3;
	v1 =	vld.idx.msk [tilespmem:v1+s2+$0x0], $0xffff  }
0x365: {  	v10 =	vld [tilespmem:s30+$0xFFFFFFD0]  }
0x366: {  	v2 =	vld.idx.msk [tilespmem:v2+s2+$0x0], $0xffff  }
0x367: {  	[tilespmem:s28+$0xFFFFFFE0] =	vst v4;
	v4 =	vld.idx.msk [tilespmem:v6+s2+$0x0], $0xffff;
	_ =	sdelay $0x1  }
0x368: {  	v5 =	vld.idx.msk [tilespmem:v8+s2+$0x0], $0xffff;
	[tilespmem:s29+$0x50] =	vst v1  }
0x369: {  	v1 =	vld [tilespmem:s30+$0x60]  }
0x36a: {  	[tilespmem:s0+$0x30] =	vst v2;
	v7 =	vld.idx.msk [tilespmem:v0+s2+$0x0], $0xffff  }
0x36b: {  	[tilespmem:s1+$0x10] =	vst v4;
	v4 =	vld.idx.msk [tilespmem:v9+s2+$0x0], $0xffff  }
0x36c: {  	v3 =	vld [tilespmem:s31+$0x40]  }
0x36d: {  	v2 =	vld.idx.msk [tilespmem:v10+s2+$0x0], $0xffff  }
0x36e: {  	v6 =	vld [tilespmem:s3+$0x20]  }
0x36f: {  	s23 =	simm.s32 $0x19480;
	v0 =	vld [tilespmem:s18+$0xFFFFFFF0];
	s18 =	simm.s32 $0x6;
	[tilespmem:s28+$0x70] =	vst v7  }
.LBB2_10:
0x370: {  	v7 =	vld [tilespmem:s23+$0x0];
	s18 =	sadd.s32 $0x2, s18;
	s4 =	smov.u32 s0;
	s0 =	smov.u32 s1  }
0x371: {  	v8 =	vld [tilespmem:s23+$0xFFFFFF80];
	p0 =	slt.u32 s18, $0x26;
	[tilespmem:s1+$0xFFFFFF90] =	vst v5  }
0x372: {  	v1 =	vld.idx.msk [tilespmem:v1+s2+$0x0], $0xffff  }
0x373: {  	v5 =	vld [tilespmem:s3+$0xFFFFFFA0];
	[tilespmem:s4+$0xFFFFFFB0] =	vst v4  }
0x374: {  	v3 =	vld.idx.msk [tilespmem:v3+s2+$0x0], $0xffff  }
0x375: {  	v4 =	vld [tilespmem:s31+$0xFFFFFFC0];
	[tilespmem:s29+$0xFFFFFFD0] =	vst v2  }
0x376: {  	v2 =	vld.idx.msk [tilespmem:v6+s2+$0x0], $0xffff  }
0x377: {  	v6 =	vld [tilespmem:s30+$0xFFFFFFE0]  }
0x378: {  	v7 =	vld.idx.msk [tilespmem:v7+s2+$0x0], $0xffff;
	[tilespmem:s29+$0x60] =	vst v1  }
0x379: {  	v1 =	vld [tilespmem:s30+$0x70]  }
0x37a: {  	v8 =	vld.idx.msk [tilespmem:v8+s2+$0x0], $0xffff;
	[tilespmem:s4+$0x40] =	vst v3  }
0x37b: {  	v3 =	vld [tilespmem:s31+$0x50]  }
0x37c: {  	v5 =	vld.idx.msk [tilespmem:v5+s2+$0x0], $0xffff;
	[tilespmem:s1+$0x20] =	vst v2  }
0x37d: {  	s1 =	sadd.s32 $0x100, s1;
	v2 =	vld [tilespmem:s3+$0x30]  }
0x37e: {  	[tilespmem:s1+$0x0] =	vst v7;
	v4 =	vld.idx.msk [tilespmem:v4+s2+$0x0], $0xffff  }
0x37f: {  	v7 =	vld [tilespmem:s23+$0x10]  }
0x380: {  	[tilespmem:s1+$0xFFFFFF80] =	vst v8;
	v6 =	vld.idx.msk [tilespmem:v6+s2+$0x0], $0xffff  }
0x381: {  	v1 =	vld.idx.msk [tilespmem:v1+s2+$0x0], $0xffff  }
0x382: {  	v8 =	vld [tilespmem:s23+$0xFFFFFF90];
	[tilespmem:s0+$0xFFFFFFA0] =	vst v5  }
0x383: {  	v3 =	vld.idx.msk [tilespmem:v3+s2+$0x0], $0xffff  }
0x384: {  	v9 =	vld [tilespmem:s3+$0xFFFFFFB0];
	[tilespmem:s4+$0xFFFFFFC0] =	vst v4  }
0x385: {  	v2 =	vld.idx.msk [tilespmem:v2+s2+$0x0], $0xffff  }
0x386: {  	v10 =	vld [tilespmem:s31+$0xFFFFFFD0];
	[tilespmem:s29+$0xFFFFFFE0] =	vst v6  }
0x387: {  	v4 =	vld.idx.msk [tilespmem:v7+s2+$0x0], $0xffff;
	[tilespmem:s29+$0x70] =	vst v1  }
0x388: {  	v6 =	vld [tilespmem:s30+$0xFFFFFFF0];
	s30 =	smov.u32 s31;
	s31 =	smov.u32 s3;
	s3 =	smov.u32 s23  }
0x389: {  	[tilespmem:s4+$0x50] =	vst v3;
	v7 =	vld.idx.msk [tilespmem:v0+s2+$0x0], $0xffff  }
0x38a: {  	v1 =	vld [tilespmem:s30+$0x60]  }
.Ltmp4:
0x38b: {  	v5 =	vld.idx.msk [tilespmem:v8+s2+$0x0], $0xffff;
	[tilespmem:s0+$0x30] =	vst v2;
	(pc) =	sbr.rel @p0 .LBB2_10-.Ltmp4, $4  }
0x38c: {  	v3 =	vld [tilespmem:s31+$0x40]  }
0x38d: {  	[tilespmem:s1+$0x10] =	vst v4;
	v4 =	vld.idx.msk [tilespmem:v9+s2+$0x0], $0xffff;
	v0 =	vmov v6  }
0x38e: {  	v6 =	vld [tilespmem:s23+$0x20]  }
0x38f: {  	s23 =	sadd.s32 $0x100, s23;
	v2 =	vld.idx.msk [tilespmem:v10+s2+$0x0], $0xffff;
	[tilespmem:s28+$0xFFFFFFF0] =	vst v7;
	s28 =	smov.u32 s29;
	s29 =	smov.u32 s4  }
0x390: {  	[tilespmem:s1+$0xFFFFFF90] =	vst v5  }
0x391: {  	v5 =	vld [tilespmem:s3+$0xFFFFFFA0];
	_ =	sdelay $0x6  }
0x392: {  	v6 =	vld.idx.msk [tilespmem:v6+s2+$0x0], $0xffff  }
0x393: {  	v5 =	vld.idx.msk [tilespmem:v5+s2+$0x0], $0xffff;
	_ =	sdelay $0x3  }
0x394: {  	[tilespmem:s1+$0x20] =	vst v6  }
0x395: {  	v6 =	vld [tilespmem:s3+$0x30];
	[tilespmem:s1+$0xFFFFFFA0] =	vst v5  }
0x396: {  	v5 =	vld [tilespmem:s3+$0xFFFFFFB0];
	_ =	sdelay $0x6  }
0x397: {  	v6 =	vld.idx.msk [tilespmem:v6+s2+$0x0], $0xffff  }
0x398: {  	v5 =	vld.idx.msk [tilespmem:v5+s2+$0x0], $0xffff;
	_ =	sdelay $0x2  }
0x399: {  	[tilespmem:s0+$0xFFFFFFB0] =	vst v4  }
0x39a: {  	v59 =	vld [tilespmem:s31+$0xFFFFFFC0];
	[tilespmem:s1+$0x30] =	vst v6  }
0x39b: {  	v58 =	vld [tilespmem:s3+$0x40];
	[tilespmem:s1+$0xFFFFFFB0] =	vst v5  }
0x39c: {  	v5 =	vld [tilespmem:s3+$0xFFFFFFC0];
	_ =	sdelay $0x4  }
0x39d: {  	v3 =	vld.idx.msk [tilespmem:v3+s2+$0x0], $0xffff  }
0x39e: {  	v6 =	vld.idx.msk [tilespmem:v59+s2+$0x0], $0xffff  }
0x39f: {  	v4 =	vld.idx.msk [tilespmem:v58+s2+$0x0], $0xffff  }
0x3a0: {  	v5 =	vld.idx.msk [tilespmem:v5+s2+$0x0], $0xffff;
	_ =	sdelay $0x1  }
0x3a1: {  	[tilespmem:s0+$0x40] =	vst v3  }
0x3a2: {  	v3 =	vld [tilespmem:s31+$0x50];
	[tilespmem:s0+$0xFFFFFFC0] =	vst v6  }
0x3a3: {  	v6 =	vld [tilespmem:s31+$0xFFFFFFD0];
	[tilespmem:s1+$0x40] =	vst v4  }
0x3a4: {  	v4 =	vld [tilespmem:s3+$0x50];
	[tilespmem:s1+$0xFFFFFFC0] =	vst v5  }
0x3a5: {  	v5 =	vld [tilespmem:s3+$0xFFFFFFD0];
	_ =	sdelay $0x4  }
0x3a6: {  	v3 =	vld.idx.msk [tilespmem:v3+s2+$0x0], $0xffff  }
0x3a7: {  	v6 =	vld.idx.msk [tilespmem:v6+s2+$0x0], $0xffff  }
0x3a8: {  	v4 =	vld.idx.msk [tilespmem:v4+s2+$0x0], $0xffff  }
0x3a9: {  	v5 =	vld.idx.msk [tilespmem:v5+s2+$0x0], $0xffff  }
0x3aa: {  	[tilespmem:s29+$0xFFFFFFD0] =	vst v2  }
0x3ab: {  	v61 =	vld [tilespmem:s30+$0xFFFFFFE0];
	[tilespmem:s0+$0x50] =	vst v3  }
0x3ac: {  	v60 =	vld [tilespmem:s31+$0x60];
	[tilespmem:s0+$0xFFFFFFD0] =	vst v6  }
0x3ad: {  	v6 =	vld [tilespmem:s31+$0xFFFFFFE0];
	[tilespmem:s1+$0x50] =	vst v4  }
0x3ae: {  	v4 =	vld [tilespmem:s3+$0x60];
	[tilespmem:s1+$0xFFFFFFD0] =	vst v5  }
0x3af: {  	v5 =	vld [tilespmem:s3+$0xFFFFFFE0];
	_ =	sdelay $0x2  }
0x3b0: {  	v1 =	vld.idx.msk [tilespmem:v1+s2+$0x0], $0xffff  }
0x3b1: {  	v3 =	vld.idx.msk [tilespmem:v61+s2+$0x0], $0xffff  }
0x3b2: {  	v2 =	vld.idx.msk [tilespmem:v60+s2+$0x0], $0xffff  }
0x3b3: {  	v6 =	vld.idx.msk [tilespmem:v6+s2+$0x0], $0xffff  }
0x3b4: {  	v4 =	vld.idx.msk [tilespmem:v4+s2+$0x0], $0xffff  }
0x3b5: {  	[tilespmem:s29+$0x60] =	vst v1;
	v5 =	vld.idx.msk [tilespmem:v5+s2+$0x0], $0xffff  }
0x3b6: {  	v1 =	vld [tilespmem:s30+$0x70];
	[tilespmem:s29+$0xFFFFFFE0] =	vst v3  }
0x3b7: {  	v3 =	vld [tilespmem:s30+$0xFFFFFFF0];
	[tilespmem:s0+$0x60] =	vst v2  }
0x3b8: {  	v2 =	vld [tilespmem:s31+$0x70];
	[tilespmem:s0+$0xFFFFFFE0] =	vst v6  }
0x3b9: {  	v6 =	vld [tilespmem:s31+$0xFFFFFFF0];
	[tilespmem:s1+$0x60] =	vst v4  }
0x3ba: {  	v4 =	vld [tilespmem:s3+$0x70];
	[tilespmem:s1+$0xFFFFFFE0] =	vst v5  }
0x3bb: {  	v5 =	vld [tilespmem:s3+$0xFFFFFFF0];
	_ =	sdelay $0x1  }
0x3bc: {  	v0 =	vld.idx.msk [tilespmem:v0+s2+$0x0], $0xffff  }
0x3bd: {  	v1 =	vld.idx.msk [tilespmem:v1+s2+$0x0], $0xffff  }
0x3be: {  	v3 =	vld.idx.msk [tilespmem:v3+s2+$0x0], $0xffff  }
0x3bf: {  	v2 =	vld.idx.msk [tilespmem:v2+s2+$0x0], $0xffff  }
0x3c0: {  	v62 =	vld.idx.msk [tilespmem:v6+s2+$0x0], $0xffff  }
0x3c1: {  	[tilespmem:s28+$0xFFFFFFF0] =	vst v0;
	v4 =	vld.idx.msk [tilespmem:v4+s2+$0x0], $0xffff  }
0x3c2: {  	[tilespmem:s29+$0x70] =	vst v1;
	v63 =	vld.idx.msk [tilespmem:v5+s2+$0x0], $0xffff  }
0x3c3: {  	[tilespmem:s29+$0xFFFFFFF0] =	vst v3  }
0x3c4: {  	[tilespmem:s0+$0x70] =	vst v2  }
0x3c5: {  	[tilespmem:s0+$0xFFFFFFF0] =	vst v62  }
0x3c6: {  	[tilespmem:s1+$0x70] =	vst v4  }
0x3c7: {  	s26 =	sadd.s32 $0x1, s26;
	[tilespmem:s1+$0xFFFFFFF0] =	vst v63  }
0x3c8: {  	[hbm4b:s13+s15] =	stream.strided.scatter [tilespmem:s21], [sflag:$0x4], $0x1400, s16, s15, $0x38;
	[tilespmem:$0x1E000] =	vst v63  }
0x3c9: {  	p0 =	sne.s32 s26, s14;
	_ =	swait.ge [sflag:s24], $0x1400  }
.Ltmp5:
0x3ca: {  	[sflag:s24] =	ssyncset.done $0x0;
	(pc) =	sbr.rel @p0 .LBB2_1-.Ltmp5, $4  }
0x3cb: {  	[sflag:s24] =	ssyncadd.s32 $0xFFFFEC00  }
0x3cc: {  	_ =	swait.ge [sflag:s25], $0x1400  }
0x3cd: {  	[sflag:s25] =	ssyncset.done $0x0  }
0x3ce: {  	[sflag:s25] =	ssyncadd.s32 $0xFFFFEC00  }
0x3cf: {  	_ =	sfence.sel $0x180000  }
0x3d0: {  	[bflag:$0x0] =	sbarrier.arrive $0xFFFF  }
0x3d1: {  	_ =	strace $0x90000047  }
0x3d2: {  	s0 =	stileid.u32;
	[bflag:$0x2] =	sbarrier.arrive $0xFFFF  }
0x3d3: {  	p0 =	sne.s32 s0, $0x0;
	s0 =	rddreg [dreg:$0x3]  }
0x3d4: {  	s0 =	sadd.s32 @!p0 $0x100000, s0  }
0x3d5: {  	[sflag:s0] =	ssyncadd.tile.s32 @!p0 $0x1;
	_ =	shalt  }
.Lfunc_end2:
_tile_overlayer_lowered:
.L_overlay_start_2:
0x3d6: {  	(tag) =	ssettag $0x2  }
0x3d7: {  	s0 =	rddreg [dreg:$0x0];
	s2 =	stileid.u32  }
0x3d8: {  	s1 =	rddreg [dreg:$0x1];
	p0 =	sne.s32 s2, $0x0  }
0x3d9: {  	s3 =	rddreg [dreg:$0x2];
	[bflag:$0x3] =	sbarrier.arrive $0xFFFF;
	s2 =	simm.s32 @!p0 $0x1C06  }
0x3da: {  	[timem:s3], [sflag:s2] =	dma.local @!p0 [hbm:s0], s1  }
0x3db: {  	s0 =	simm.s32 @!p0 $0x6  }
0x3dc: {  	_ =	swait.ge @!p0 [sflag:s0], s1  }
0x3dd: {  	s1 =	ssub.s32 @!p0 $0x0, s1;
	[sflag:s0] =	ssyncset.done @!p0 $0x0  }
0x3de: {  	[sflag:s0] =	ssyncadd.s32 @!p0 s1  }
0x3df: {  	[bflag:$0x3] =	sbarrier.arrive $0xFFFF  }
0x3e0: {  	_ =	shalt  }

</sc_bundles>
